<compile_context>
chip_gen: v7x
topology: tpu7x:2x2x1
jax: 0.10.2.dev20260603
libtpu: 0.0.44.dev20260713+nightly
codegen_flags: <defaults>
</compile_context>

<pallas_src>
import functools

import jax
import jax.numpy as jnp
from jax import lax
from jax.experimental import pallas as pl
from jax.experimental.pallas import tpu as pltpu
from jax.experimental.pallas import tpu_sc as plsc

EMBED_DIM = 32
NUM_WORKERS = 32
CHUNK_B = 16


def _sc_embedding_gather(x, table):
    B, S = x.shape
    b_per_w = B // NUM_WORKERS
    n_chunks = b_per_w // CHUNK_B

    mesh = plsc.VectorSubcoreMesh(core_axis_name="c", subcore_axis_name="s")

    @functools.partial(
        pl.kernel,
        out_type=jax.ShapeDtypeStruct((B, S, EMBED_DIM), jnp.float32),
        mesh=mesh,
        scratch_types=[
            pltpu.VMEM((b_per_w, S), jnp.int32),
            pltpu.VMEM((2, CHUNK_B, S, EMBED_DIM), jnp.float32),
            pltpu.SemaphoreType.DMA,
            pltpu.SemaphoreType.DMA,
        ],
        compiler_params=pltpu.CompilerParams(use_tc_tiling_on_sc=False),
    )
    def body(x_hbm, tab_hbm, out_hbm, idx_v, rows_v, gsem, ssem):
        wid = lax.axis_index("s") * 2 + lax.axis_index("c")
        base = wid * b_per_w
        pltpu.sync_copy(x_hbm.at[pl.ds(base, b_per_w)], idx_v)

        def fire_gather(c, slot):
            for r in range(CHUNK_B):
                pltpu.make_async_copy(
                    tab_hbm.at[idx_v.at[c * CHUNK_B + r]],
                    rows_v.at[slot, r],
                    gsem,
                ).start()

        def wait_gather(c, slot):
            for r in range(CHUNK_B):
                pltpu.make_async_copy(
                    tab_hbm.at[idx_v.at[c * CHUNK_B + r]],
                    rows_v.at[slot, r],
                    gsem,
                ).wait()

        def store_desc(c, slot):
            return pltpu.make_async_copy(
                rows_v.at[slot],
                out_hbm.at[pl.ds(base + c * CHUNK_B, CHUNK_B)],
                ssem,
            )

        fire_gather(0, 0)

        def chunk_body(c, carry):
            slot = lax.rem(c, 2)
            wait_gather(c, slot)

            @pl.when(c >= 1)
            def _():
                store_desc(c - 1, 1 - slot).wait()

            @pl.when(c + 1 < n_chunks)
            def _():
                fire_gather(c + 1, 1 - slot)

            store_desc(c, slot).start()
            return carry

        lax.fori_loop(0, n_chunks, chunk_body, 0)
        store_desc(n_chunks - 1, lax.rem(n_chunks - 1, 2)).wait()

    return body(x, table)


def kernel(x, raw_weight):
    return _sc_embedding_gather(x.astype(jnp.int32), raw_weight)

# --- scband reference (transcript-rebuilt; emitter-appended) ---
"""Pipeline reference for scband-vdembedding-29102698397779 (READ-ONLY COPY).

The authoritative reference and input builder live on the scoring server;
editing this copy changes nothing except your own understanding.
"""

import jax, jax.numpy as jnp
import numpy as np

VOCAB = 1000000
EMBED_DIM = 32
PADDING_IDX = 0
DROPOUT = 0.1


def setup_inputs(seed: int = 0) -> dict:
    key = jax.random.key(seed)
    k1, k2 = jax.random.split(key)
    x = jax.random.randint(k1, (16384, 50), 0, VOCAB, dtype=jnp.int64 if jax.config.jax_enable_x64 else jnp.int32)
    raw_weight = jax.random.normal(k2, (VOCAB, EMBED_DIM), dtype=jnp.float32)
    # nn.Embedding zeroes the padding_idx row at init
    raw_weight = raw_weight.at[PADDING_IDX].set(0.0)
    return {"x": x, "raw_weight": raw_weight}


def reference(x, raw_weight):
    # Eval-mode forward: F.dropout(ones, p, training=False) is identity, so
    # mask = ones(vocab) -> masked_weights == raw_weight.
    mask = jnp.ones((VOCAB,), dtype=jnp.float32)[:, None]
    masked_weights = mask * raw_weight
    # embedding lookup (gather); padding_idx row is already zero
    out = jnp.take(masked_weights, x, axis=0)
    return out

if __name__ == "__main__":
    import jax
    _d = setup_inputs()
    print(jax.jit(kernel)(*tuple(_d.values())))

</pallas_src>

<mosaic_0001>
#map = affine_map<(d0, d1) -> (0, 0)>
#map1 = affine_map<(d0, d1) -> (0, 0, 0)>
module attributes {stable_mosaic.version = 14 : i64} {
  func.func @body(%arg0: i32, %arg1: i32, %arg2: memref<16384x50xi32, #tpu.memory_space<hbm>>, %arg3: memref<1000000x32xf32, #tpu.memory_space<hbm>>, %arg4: memref<16384x50x32xf32, #tpu.memory_space<hbm>>, %arg5: memref<512x50xi32, #tpu.memory_space<vmem>>, %arg6: memref<2x16x50x32xf32, #tpu.memory_space<vmem>>, %arg7: memref<!tpu.dma_semaphore, #tpu.memory_space<semaphore_mem>>, %arg8: memref<!tpu.dma_semaphore, #tpu.memory_space<semaphore_mem>>) attributes {dimension_semantics = [#tpu.dimension_semantics<core_parallel>, #tpu.dimension_semantics<subcore_parallel>], iteration_bounds = array<i64: 2, 16>, scalar_prefetch = 0 : i64, scratch_operands = 4 : i64, tpu.core_type = #tpu.core_type<sc_vector_subcore>, window_params = [{transform_indices = #map}, {transform_indices = #map}, {transform_indices = #map1}]} {
    %mul3A = arith.constant 2 : i32
    %mul3A_0 = arith.muli %arg1, %mul3A : i32
    %add3A = arith.addi %mul3A_0, %arg0 : i32
    %mul3A_1 = arith.constant 512 : i32
    %mul3A_2 = arith.muli %add3A, %mul3A_1 : i32
    "tpu.region"() ({
      %run_scoped3A = tpu.sem_alloc : memref<!tpu.dma_semaphore, #tpu.memory_space<semaphore_mem>>
      %dma_start3A_234 = arith.constant 0 : i32
      %dma_start3A_235 = tpu.memref_slice %arg2[%mul3A_2, %dma_start3A_234] : memref<16384x50xi32, #tpu.memory_space<hbm>> -> memref<512x50xi32, #tpu.memory_space<hbm>>
      %dma_start3A_236 = arith.constant 0 : i32
      %dma_start3A_237 = tpu.memref_slice %arg2[%mul3A_2, %dma_start3A_236] : memref<16384x50xi32, #tpu.memory_space<hbm>> -> memref<512x50xi32, #tpu.memory_space<hbm>>
      tpu.enqueue_dma source(%dma_start3A_237 : memref<512x50xi32, #tpu.memory_space<hbm>>) target(%arg5 : memref<512x50xi32, #tpu.memory_space<vmem>>) target_semaphore(%run_scoped3A : memref<!tpu.dma_semaphore, #tpu.memory_space<semaphore_mem>>)
      %dma_wait3A_238 = arith.constant 0 : i32
      %dma_wait3A_239 = tpu.memref_slice %arg2[%mul3A_2, %dma_wait3A_238] : memref<16384x50xi32, #tpu.memory_space<hbm>> -> memref<512x50xi32, #tpu.memory_space<hbm>>
      %dma_wait3A_240 = arith.constant 0 : i32
      %dma_wait3A_241 = tpu.memref_slice %arg2[%mul3A_2, %dma_wait3A_240] : memref<16384x50xi32, #tpu.memory_space<hbm>> -> memref<512x50xi32, #tpu.memory_space<hbm>>
      tpu.wait_dma2 semaphore(%run_scoped3A : memref<!tpu.dma_semaphore, #tpu.memory_space<semaphore_mem>>) src(%dma_wait3A_241 : memref<512x50xi32, #tpu.memory_space<hbm>>) dst(%arg5 : memref<512x50xi32, #tpu.memory_space<vmem>>)
      tpu.yield
    }) : () -> ()
    %dma_start3A = arith.constant 0 : i32
    %dma_start3A_3 = arith.constant 0 : i32
    %dma_start3A_4 = arith.constant 0 : i32
    %dma_start3A_5 = arith.constant 0 : i32
    %dma_start3A_6 = arith.constant 0 : i32
    %dma_start3A_7 = tpu.memref_slice %arg6[%dma_start3A_3, %dma_start3A_4, %dma_start3A_5, %dma_start3A_6] : memref<2x16x50x32xf32, #tpu.memory_space<vmem>> -> memref<1x1x50x32xf32, #tpu.memory_space<vmem>>
    %dma_start3A_8 = tpu.memref_squeeze %dma_start3A_7 : memref<1x1x50x32xf32, #tpu.memory_space<vmem>> -> memref<50x32xf32, #tpu.memory_space<vmem>>
    %dma_start3A_9 = arith.constant 0 : i32
    %dma_start3A_10 = tpu.memref_slice %arg5[%dma_start3A, %dma_start3A_9] : memref<512x50xi32, #tpu.memory_space<vmem>> -> memref<1x50xi32, #tpu.memory_space<vmem>>
    %dma_start3A_11 = tpu.memref_squeeze %dma_start3A_10 : memref<1x50xi32, #tpu.memory_space<vmem>> -> memref<50xi32, #tpu.memory_space<vmem>>
    %dma_start3A_12 = arith.constant 0 : i32
    %dma_start3A_13 = arith.constant 0 : i32
    %dma_start3A_14 = tpu.memref_slice %arg3[%dma_start3A_12, %dma_start3A_13] : memref<1000000x32xf32, #tpu.memory_space<hbm>> -> memref<1000000x32xf32, #tpu.memory_space<hbm>>
    tpu.enqueue_indirect_dma source(%dma_start3A_14 : memref<1000000x32xf32, #tpu.memory_space<hbm>>) target(%dma_start3A_8 : memref<50x32xf32, #tpu.memory_space<vmem>>) offsets(%dma_start3A_11 : memref<50xi32, #tpu.memory_space<vmem>>) semaphore(%arg7 : memref<!tpu.dma_semaphore, #tpu.memory_space<semaphore_mem>>)
    %dma_start3A_15 = arith.constant 1 : i32
    %dma_start3A_16 = arith.constant 0 : i32
    %dma_start3A_17 = arith.constant 1 : i32
    %dma_start3A_18 = arith.constant 0 : i32
    %dma_start3A_19 = arith.constant 0 : i32
    %dma_start3A_20 = tpu.memref_slice %arg6[%dma_start3A_16, %dma_start3A_17, %dma_start3A_18, %dma_start3A_19] : memref<2x16x50x32xf32, #tpu.memory_space<vmem>> -> memref<1x1x50x32xf32, #tpu.memory_space<vmem>>
    %dma_start3A_21 = tpu.memref_squeeze %dma_start3A_20 : memref<1x1x50x32xf32, #tpu.memory_space<vmem>> -> memref<50x32xf32, #tpu.memory_space<vmem>>
    %dma_start3A_22 = arith.constant 0 : i32
    %dma_start3A_23 = tpu.memref_slice %arg5[%dma_start3A_15, %dma_start3A_22] : memref<512x50xi32, #tpu.memory_space<vmem>> -> memref<1x50xi32, #tpu.memory_space<vmem>>
    %dma_start3A_24 = tpu.memref_squeeze %dma_start3A_23 : memref<1x50xi32, #tpu.memory_space<vmem>> -> memref<50xi32, #tpu.memory_space<vmem>>
    %dma_start3A_25 = arith.constant 0 : i32
    %dma_start3A_26 = arith.constant 0 : i32
    %dma_start3A_27 = tpu.memref_slice %arg3[%dma_start3A_25, %dma_start3A_26] : memref<1000000x32xf32, #tpu.memory_space<hbm>> -> memref<1000000x32xf32, #tpu.memory_space<hbm>>
    tpu.enqueue_indirect_dma source(%dma_start3A_27 : memref<1000000x32xf32, #tpu.memory_space<hbm>>) target(%dma_start3A_21 : memref<50x32xf32, #tpu.memory_space<vmem>>) offsets(%dma_start3A_24 : memref<50xi32, #tpu.memory_space<vmem>>) semaphore(%arg7 : memref<!tpu.dma_semaphore, #tpu.memory_space<semaphore_mem>>)
    %dma_start3A_28 = arith.constant 2 : i32
    %dma_start3A_29 = arith.constant 0 : i32
    %dma_start3A_30 = arith.constant 2 : i32
    %dma_start3A_31 = arith.constant 0 : i32
    %dma_start3A_32 = arith.constant 0 : i32
    %dma_start3A_33 = tpu.memref_slice %arg6[%dma_start3A_29, %dma_start3A_30, %dma_start3A_31, %dma_start3A_32] : memref<2x16x50x32xf32, #tpu.memory_space<vmem>> -> memref<1x1x50x32xf32, #tpu.memory_space<vmem>>
    %dma_start3A_34 = tpu.memref_squeeze %dma_start3A_33 : memref<1x1x50x32xf32, #tpu.memory_space<vmem>> -> memref<50x32xf32, #tpu.memory_space<vmem>>
    %dma_start3A_35 = arith.constant 0 : i32
    %dma_start3A_36 = tpu.memref_slice %arg5[%dma_start3A_28, %dma_start3A_35] : memref<512x50xi32, #tpu.memory_space<vmem>> -> memref<1x50xi32, #tpu.memory_space<vmem>>
    %dma_start3A_37 = tpu.memref_squeeze %dma_start3A_36 : memref<1x50xi32, #tpu.memory_space<vmem>> -> memref<50xi32, #tpu.memory_space<vmem>>
    %dma_start3A_38 = arith.constant 0 : i32
    %dma_start3A_39 = arith.constant 0 : i32
    %dma_start3A_40 = tpu.memref_slice %arg3[%dma_start3A_38, %dma_start3A_39] : memref<1000000x32xf32, #tpu.memory_space<hbm>> -> memref<1000000x32xf32, #tpu.memory_space<hbm>>
    tpu.enqueue_indirect_dma source(%dma_start3A_40 : memref<1000000x32xf32, #tpu.memory_space<hbm>>) target(%dma_start3A_34 : memref<50x32xf32, #tpu.memory_space<vmem>>) offsets(%dma_start3A_37 : memref<50xi32, #tpu.memory_space<vmem>>) semaphore(%arg7 : memref<!tpu.dma_semaphore, #tpu.memory_space<semaphore_mem>>)
    %dma_start3A_41 = arith.constant 3 : i32
    %dma_start3A_42 = arith.constant 0 : i32
    %dma_start3A_43 = arith.constant 3 : i32
    %dma_start3A_44 = arith.constant 0 : i32
    %dma_start3A_45 = arith.constant 0 : i32
    %dma_start3A_46 = tpu.memref_slice %arg6[%dma_start3A_42, %dma_start3A_43, %dma_start3A_44, %dma_start3A_45] : memref<2x16x50x32xf32, #tpu.memory_space<vmem>> -> memref<1x1x50x32xf32, #tpu.memory_space<vmem>>
    %dma_start3A_47 = tpu.memref_squeeze %dma_start3A_46 : memref<1x1x50x32xf32, #tpu.memory_space<vmem>> -> memref<50x32xf32, #tpu.memory_space<vmem>>
    %dma_start3A_48 = arith.constant 0 : i32
    %dma_start3A_49 = tpu.memref_slice %arg5[%dma_start3A_41, %dma_start3A_48] : memref<512x50xi32, #tpu.memory_space<vmem>> -> memref<1x50xi32, #tpu.memory_space<vmem>>
    %dma_start3A_50 = tpu.memref_squeeze %dma_start3A_49 : memref<1x50xi32, #tpu.memory_space<vmem>> -> memref<50xi32, #tpu.memory_space<vmem>>
    %dma_start3A_51 = arith.constant 0 : i32
    %dma_start3A_52 = arith.constant 0 : i32
    %dma_start3A_53 = tpu.memref_slice %arg3[%dma_start3A_51, %dma_start3A_52] : memref<1000000x32xf32, #tpu.memory_space<hbm>> -> memref<1000000x32xf32, #tpu.memory_space<hbm>>
    tpu.enqueue_indirect_dma source(%dma_start3A_53 : memref<1000000x32xf32, #tpu.memory_space<hbm>>) target(%dma_start3A_47 : memref<50x32xf32, #tpu.memory_space<vmem>>) offsets(%dma_start3A_50 : memref<50xi32, #tpu.memory_space<vmem>>) semaphore(%arg7 : memref<!tpu.dma_semaphore, #tpu.memory_space<semaphore_mem>>)
    %dma_start3A_54 = arith.constant 4 : i32
    %dma_start3A_55 = arith.constant 0 : i32
    %dma_start3A_56 = arith.constant 4 : i32
    %dma_start3A_57 = arith.constant 0 : i32
    %dma_start3A_58 = arith.constant 0 : i32
    %dma_start3A_59 = tpu.memref_slice %arg6[%dma_start3A_55, %dma_start3A_56, %dma_start3A_57, %dma_start3A_58] : memref<2x16x50x32xf32, #tpu.memory_space<vmem>> -> memref<1x1x50x32xf32, #tpu.memory_space<vmem>>
    %dma_start3A_60 = tpu.memref_squeeze %dma_start3A_59 : memref<1x1x50x32xf32, #tpu.memory_space<vmem>> -> memref<50x32xf32, #tpu.memory_space<vmem>>
    %dma_start3A_61 = arith.constant 0 : i32
    %dma_start3A_62 = tpu.memref_slice %arg5[%dma_start3A_54, %dma_start3A_61] : memref<512x50xi32, #tpu.memory_space<vmem>> -> memref<1x50xi32, #tpu.memory_space<vmem>>
    %dma_start3A_63 = tpu.memref_squeeze %dma_start3A_62 : memref<1x50xi32, #tpu.memory_space<vmem>> -> memref<50xi32, #tpu.memory_space<vmem>>
    %dma_start3A_64 = arith.constant 0 : i32
    %dma_start3A_65 = arith.constant 0 : i32
    %dma_start3A_66 = tpu.memref_slice %arg3[%dma_start3A_64, %dma_start3A_65] : memref<1000000x32xf32, #tpu.memory_space<hbm>> -> memref<1000000x32xf32, #tpu.memory_space<hbm>>
    tpu.enqueue_indirect_dma source(%dma_start3A_66 : memref<1000000x32xf32, #tpu.memory_space<hbm>>) target(%dma_start3A_60 : memref<50x32xf32, #tpu.memory_space<vmem>>) offsets(%dma_start3A_63 : memref<50xi32, #tpu.memory_space<vmem>>) semaphore(%arg7 : memref<!tpu.dma_semaphore, #tpu.memory_space<semaphore_mem>>)
    %dma_start3A_67 = arith.constant 5 : i32
    %dma_start3A_68 = arith.constant 0 : i32
    %dma_start3A_69 = arith.constant 5 : i32
    %dma_start3A_70 = arith.constant 0 : i32
    %dma_start3A_71 = arith.constant 0 : i32
    %dma_start3A_72 = tpu.memref_slice %arg6[%dma_start3A_68, %dma_start3A_69, %dma_start3A_70, %dma_start3A_71] : memref<2x16x50x32xf32, #tpu.memory_space<vmem>> -> memref<1x1x50x32xf32, #tpu.memory_space<vmem>>
    %dma_start3A_73 = tpu.memref_squeeze %dma_start3A_72 : memref<1x1x50x32xf32, #tpu.memory_space<vmem>> -> memref<50x32xf32, #tpu.memory_space<vmem>>
    %dma_start3A_74 = arith.constant 0 : i32
    %dma_start3A_75 = tpu.memref_slice %arg5[%dma_start3A_67, %dma_start3A_74] : memref<512x50xi32, #tpu.memory_space<vmem>> -> memref<1x50xi32, #tpu.memory_space<vmem>>
    %dma_start3A_76 = tpu.memref_squeeze %dma_start3A_75 : memref<1x50xi32, #tpu.memory_space<vmem>> -> memref<50xi32, #tpu.memory_space<vmem>>
    %dma_start3A_77 = arith.constant 0 : i32
    %dma_start3A_78 = arith.constant 0 : i32
    %dma_start3A_79 = tpu.memref_slice %arg3[%dma_start3A_77, %dma_start3A_78] : memref<1000000x32xf32, #tpu.memory_space<hbm>> -> memref<1000000x32xf32, #tpu.memory_space<hbm>>
    tpu.enqueue_indirect_dma source(%dma_start3A_79 : memref<1000000x32xf32, #tpu.memory_space<hbm>>) target(%dma_start3A_73 : memref<50x32xf32, #tpu.memory_space<vmem>>) offsets(%dma_start3A_76 : memref<50xi32, #tpu.memory_space<vmem>>) semaphore(%arg7 : memref<!tpu.dma_semaphore, #tpu.memory_space<semaphore_mem>>)
    %dma_start3A_80 = arith.constant 6 : i32
    %dma_start3A_81 = arith.constant 0 : i32
    %dma_start3A_82 = arith.constant 6 : i32
    %dma_start3A_83 = arith.constant 0 : i32
    %dma_start3A_84 = arith.constant 0 : i32
    %dma_start3A_85 = tpu.memref_slice %arg6[%dma_start3A_81, %dma_start3A_82, %dma_start3A_83, %dma_start3A_84] : memref<2x16x50x32xf32, #tpu.memory_space<vmem>> -> memref<1x1x50x32xf32, #tpu.memory_space<vmem>>
    %dma_start3A_86 = tpu.memref_squeeze %dma_start3A_85 : memref<1x1x50x32xf32, #tpu.memory_space<vmem>> -> memref<50x32xf32, #tpu.memory_space<vmem>>
    %dma_start3A_87 = arith.constant 0 : i32
    %dma_start3A_88 = tpu.memref_slice %arg5[%dma_start3A_80, %dma_start3A_87] : memref<512x50xi32, #tpu.memory_space<vmem>> -> memref<1x50xi32, #tpu.memory_space<vmem>>
    %dma_start3A_89 = tpu.memref_squeeze %dma_start3A_88 : memref<1x50xi32, #tpu.memory_space<vmem>> -> memref<50xi32, #tpu.memory_space<vmem>>
    %dma_start3A_90 = arith.constant 0 : i32
    %dma_start3A_91 = arith.constant 0 : i32
    %dma_start3A_92 = tpu.memref_slice %arg3[%dma_start3A_90, %dma_start3A_91] : memref<1000000x32xf32, #tpu.memory_space<hbm>> -> memref<1000000x32xf32, #tpu.memory_space<hbm>>
    tpu.enqueue_indirect_dma source(%dma_start3A_92 : memref<1000000x32xf32, #tpu.memory_space<hbm>>) target(%dma_start3A_86 : memref<50x32xf32, #tpu.memory_space<vmem>>) offsets(%dma_start3A_89 : memref<50xi32, #tpu.memory_space<vmem>>) semaphore(%arg7 : memref<!tpu.dma_semaphore, #tpu.memory_space<semaphore_mem>>)
    %dma_start3A_93 = arith.constant 7 : i32
    %dma_start3A_94 = arith.constant 0 : i32
    %dma_start3A_95 = arith.constant 7 : i32
    %dma_start3A_96 = arith.constant 0 : i32
    %dma_start3A_97 = arith.constant 0 : i32
    %dma_start3A_98 = tpu.memref_slice %arg6[%dma_start3A_94, %dma_start3A_95, %dma_start3A_96, %dma_start3A_97] : memref<2x16x50x32xf32, #tpu.memory_space<vmem>> -> memref<1x1x50x32xf32, #tpu.memory_space<vmem>>
    %dma_start3A_99 = tpu.memref_squeeze %dma_start3A_98 : memref<1x1x50x32xf32, #tpu.memory_space<vmem>> -> memref<50x32xf32, #tpu.memory_space<vmem>>
    %dma_start3A_100 = arith.constant 0 : i32
    %dma_start3A_101 = tpu.memref_slice %arg5[%dma_start3A_93, %dma_start3A_100] : memref<512x50xi32, #tpu.memory_space<vmem>> -> memref<1x50xi32, #tpu.memory_space<vmem>>
    %dma_start3A_102 = tpu.memref_squeeze %dma_start3A_101 : memref<1x50xi32, #tpu.memory_space<vmem>> -> memref<50xi32, #tpu.memory_space<vmem>>
    %dma_start3A_103 = arith.constant 0 : i32
    %dma_start3A_104 = arith.constant 0 : i32
    %dma_start3A_105 = tpu.memref_slice %arg3[%dma_start3A_103, %dma_start3A_104] : memref<1000000x32xf32, #tpu.memory_space<hbm>> -> memref<1000000x32xf32, #tpu.memory_space<hbm>>
    tpu.enqueue_indirect_dma source(%dma_start3A_105 : memref<1000000x32xf32, #tpu.memory_space<hbm>>) target(%dma_start3A_99 : memref<50x32xf32, #tpu.memory_space<vmem>>) offsets(%dma_start3A_102 : memref<50xi32, #tpu.memory_space<vmem>>) semaphore(%arg7 : memref<!tpu.dma_semaphore, #tpu.memory_space<semaphore_mem>>)
    %dma_start3A_106 = arith.constant 8 : i32
    %dma_start3A_107 = arith.constant 0 : i32
    %dma_start3A_108 = arith.constant 8 : i32
    %dma_start3A_109 = arith.constant 0 : i32
    %dma_start3A_110 = arith.constant 0 : i32
    %dma_start3A_111 = tpu.memref_slice %arg6[%dma_start3A_107, %dma_start3A_108, %dma_start3A_109, %dma_start3A_110] : memref<2x16x50x32xf32, #tpu.memory_space<vmem>> -> memref<1x1x50x32xf32, #tpu.memory_space<vmem>>
    %dma_start3A_112 = tpu.memref_squeeze %dma_start3A_111 : memref<1x1x50x32xf32, #tpu.memory_space<vmem>> -> memref<50x32xf32, #tpu.memory_space<vmem>>
    %dma_start3A_113 = arith.constant 0 : i32
    %dma_start3A_114 = tpu.memref_slice %arg5[%dma_start3A_106, %dma_start3A_113] : memref<512x50xi32, #tpu.memory_space<vmem>> -> memref<1x50xi32, #tpu.memory_space<vmem>>
    %dma_start3A_115 = tpu.memref_squeeze %dma_start3A_114 : memref<1x50xi32, #tpu.memory_space<vmem>> -> memref<50xi32, #tpu.memory_space<vmem>>
    %dma_start3A_116 = arith.constant 0 : i32
    %dma_start3A_117 = arith.constant 0 : i32
    %dma_start3A_118 = tpu.memref_slice %arg3[%dma_start3A_116, %dma_start3A_117] : memref<1000000x32xf32, #tpu.memory_space<hbm>> -> memref<1000000x32xf32, #tpu.memory_space<hbm>>
    tpu.enqueue_indirect_dma source(%dma_start3A_118 : memref<1000000x32xf32, #tpu.memory_space<hbm>>) target(%dma_start3A_112 : memref<50x32xf32, #tpu.memory_space<vmem>>) offsets(%dma_start3A_115 : memref<50xi32, #tpu.memory_space<vmem>>) semaphore(%arg7 : memref<!tpu.dma_semaphore, #tpu.memory_space<semaphore_mem>>)
    %dma_start3A_119 = arith.constant 9 : i32
    %dma_start3A_120 = arith.constant 0 : i32
    %dma_start3A_121 = arith.constant 9 : i32
    %dma_start3A_122 = arith.constant 0 : i32
    %dma_start3A_123 = arith.constant 0 : i32
    %dma_start3A_124 = tpu.memref_slice %arg6[%dma_start3A_120, %dma_start3A_121, %dma_start3A_122, %dma_start3A_123] : memref<2x16x50x32xf32, #tpu.memory_space<vmem>> -> memref<1x1x50x32xf32, #tpu.memory_space<vmem>>
    %dma_start3A_125 = tpu.memref_squeeze %dma_start3A_124 : memref<1x1x50x32xf32, #tpu.memory_space<vmem>> -> memref<50x32xf32, #tpu.memory_space<vmem>>
    %dma_start3A_126 = arith.constant 0 : i32
    %dma_start3A_127 = tpu.memref_slice %arg5[%dma_start3A_119, %dma_start3A_126] : memref<512x50xi32, #tpu.memory_space<vmem>> -> memref<1x50xi32, #tpu.memory_space<vmem>>
    %dma_start3A_128 = tpu.memref_squeeze %dma_start3A_127 : memref<1x50xi32, #tpu.memory_space<vmem>> -> memref<50xi32, #tpu.memory_space<vmem>>
    %dma_start3A_129 = arith.constant 0 : i32
    %dma_start3A_130 = arith.constant 0 : i32
    %dma_start3A_131 = tpu.memref_slice %arg3[%dma_start3A_129, %dma_start3A_130] : memref<1000000x32xf32, #tpu.memory_space<hbm>> -> memref<1000000x32xf32, #tpu.memory_space<hbm>>
    tpu.enqueue_indirect_dma source(%dma_start3A_131 : memref<1000000x32xf32, #tpu.memory_space<hbm>>) target(%dma_start3A_125 : memref<50x32xf32, #tpu.memory_space<vmem>>) offsets(%dma_start3A_128 : memref<50xi32, #tpu.memory_space<vmem>>) semaphore(%arg7 : memref<!tpu.dma_semaphore, #tpu.memory_space<semaphore_mem>>)
    %dma_start3A_132 = arith.constant 10 : i32
    %dma_start3A_133 = arith.constant 0 : i32
    %dma_start3A_134 = arith.constant 10 : i32
    %dma_start3A_135 = arith.constant 0 : i32
    %dma_start3A_136 = arith.constant 0 : i32
    %dma_start3A_137 = tpu.memref_slice %arg6[%dma_start3A_133, %dma_start3A_134, %dma_start3A_135, %dma_start3A_136] : memref<2x16x50x32xf32, #tpu.memory_space<vmem>> -> memref<1x1x50x32xf32, #tpu.memory_space<vmem>>
    %dma_start3A_138 = tpu.memref_squeeze %dma_start3A_137 : memref<1x1x50x32xf32, #tpu.memory_space<vmem>> -> memref<50x32xf32, #tpu.memory_space<vmem>>
    %dma_start3A_139 = arith.constant 0 : i32
    %dma_start3A_140 = tpu.memref_slice %arg5[%dma_start3A_132, %dma_start3A_139] : memref<512x50xi32, #tpu.memory_space<vmem>> -> memref<1x50xi32, #tpu.memory_space<vmem>>
    %dma_start3A_141 = tpu.memref_squeeze %dma_start3A_140 : memref<1x50xi32, #tpu.memory_space<vmem>> -> memref<50xi32, #tpu.memory_space<vmem>>
    %dma_start3A_142 = arith.constant 0 : i32
    %dma_start3A_143 = arith.constant 0 : i32
    %dma_start3A_144 = tpu.memref_slice %arg3[%dma_start3A_142, %dma_start3A_143] : memref<1000000x32xf32, #tpu.memory_space<hbm>> -> memref<1000000x32xf32, #tpu.memory_space<hbm>>
    tpu.enqueue_indirect_dma source(%dma_start3A_144 : memref<1000000x32xf32, #tpu.memory_space<hbm>>) target(%dma_start3A_138 : memref<50x32xf32, #tpu.memory_space<vmem>>) offsets(%dma_start3A_141 : memref<50xi32, #tpu.memory_space<vmem>>) semaphore(%arg7 : memref<!tpu.dma_semaphore, #tpu.memory_space<semaphore_mem>>)
    %dma_start3A_145 = arith.constant 11 : i32
    %dma_start3A_146 = arith.constant 0 : i32
    %dma_start3A_147 = arith.constant 11 : i32
    %dma_start3A_148 = arith.constant 0 : i32
    %dma_start3A_149 = arith.constant 0 : i32
    %dma_start3A_150 = tpu.memref_slice %arg6[%dma_start3A_146, %dma_start3A_147, %dma_start3A_148, %dma_start3A_149] : memref<2x16x50x32xf32, #tpu.memory_space<vmem>> -> memref<1x1x50x32xf32, #tpu.memory_space<vmem>>
    %dma_start3A_151 = tpu.memref_squeeze %dma_start3A_150 : memref<1x1x50x32xf32, #tpu.memory_space<vmem>> -> memref<50x32xf32, #tpu.memory_space<vmem>>
    %dma_start3A_152 = arith.constant 0 : i32
    %dma_start3A_153 = tpu.memref_slice %arg5[%dma_start3A_145, %dma_start3A_152] : memref<512x50xi32, #tpu.memory_space<vmem>> -> memref<1x50xi32, #tpu.memory_space<vmem>>
    %dma_start3A_154 = tpu.memref_squeeze %dma_start3A_153 : memref<1x50xi32, #tpu.memory_space<vmem>> -> memref<50xi32, #tpu.memory_space<vmem>>
    %dma_start3A_155 = arith.constant 0 : i32
    %dma_start3A_156 = arith.constant 0 : i32
    %dma_start3A_157 = tpu.memref_slice %arg3[%dma_start3A_155, %dma_start3A_156] : memref<1000000x32xf32, #tpu.memory_space<hbm>> -> memref<1000000x32xf32, #tpu.memory_space<hbm>>
    tpu.enqueue_indirect_dma source(%dma_start3A_157 : memref<1000000x32xf32, #tpu.memory_space<hbm>>) target(%dma_start3A_151 : memref<50x32xf32, #tpu.memory_space<vmem>>) offsets(%dma_start3A_154 : memref<50xi32, #tpu.memory_space<vmem>>) semaphore(%arg7 : memref<!tpu.dma_semaphore, #tpu.memory_space<semaphore_mem>>)
    %dma_start3A_158 = arith.constant 12 : i32
    %dma_start3A_159 = arith.constant 0 : i32
    %dma_start3A_160 = arith.constant 12 : i32
    %dma_start3A_161 = arith.constant 0 : i32
    %dma_start3A_162 = arith.constant 0 : i32
    %dma_start3A_163 = tpu.memref_slice %arg6[%dma_start3A_159, %dma_start3A_160, %dma_start3A_161, %dma_start3A_162] : memref<2x16x50x32xf32, #tpu.memory_space<vmem>> -> memref<1x1x50x32xf32, #tpu.memory_space<vmem>>
    %dma_start3A_164 = tpu.memref_squeeze %dma_start3A_163 : memref<1x1x50x32xf32, #tpu.memory_space<vmem>> -> memref<50x32xf32, #tpu.memory_space<vmem>>
    %dma_start3A_165 = arith.constant 0 : i32
    %dma_start3A_166 = tpu.memref_slice %arg5[%dma_start3A_158, %dma_start3A_165] : memref<512x50xi32, #tpu.memory_space<vmem>> -> memref<1x50xi32, #tpu.memory_space<vmem>>
    %dma_start3A_167 = tpu.memref_squeeze %dma_start3A_166 : memref<1x50xi32, #tpu.memory_space<vmem>> -> memref<50xi32, #tpu.memory_space<vmem>>
    %dma_start3A_168 = arith.constant 0 : i32
    %dma_start3A_169 = arith.constant 0 : i32
    %dma_start3A_170 = tpu.memref_slice %arg3[%dma_start3A_168, %dma_start3A_169] : memref<1000000x32xf32, #tpu.memory_space<hbm>> -> memref<1000000x32xf32, #tpu.memory_space<hbm>>
    tpu.enqueue_indirect_dma source(%dma_start3A_170 : memref<1000000x32xf32, #tpu.memory_space<hbm>>) target(%dma_start3A_164 : memref<50x32xf32, #tpu.memory_space<vmem>>) offsets(%dma_start3A_167 : memref<50xi32, #tpu.memory_space<vmem>>) semaphore(%arg7 : memref<!tpu.dma_semaphore, #tpu.memory_space<semaphore_mem>>)
    %dma_start3A_171 = arith.constant 13 : i32
    %dma_start3A_172 = arith.constant 0 : i32
    %dma_start3A_173 = arith.constant 13 : i32
    %dma_start3A_174 = arith.constant 0 : i32
    %dma_start3A_175 = arith.constant 0 : i32
    %dma_start3A_176 = tpu.memref_slice %arg6[%dma_start3A_172, %dma_start3A_173, %dma_start3A_174, %dma_start3A_175] : memref<2x16x50x32xf32, #tpu.memory_space<vmem>> -> memref<1x1x50x32xf32, #tpu.memory_space<vmem>>
    %dma_start3A_177 = tpu.memref_squeeze %dma_start3A_176 : memref<1x1x50x32xf32, #tpu.memory_space<vmem>> -> memref<50x32xf32, #tpu.memory_space<vmem>>
    %dma_start3A_178 = arith.constant 0 : i32
    %dma_start3A_179 = tpu.memref_slice %arg5[%dma_start3A_171, %dma_start3A_178] : memref<512x50xi32, #tpu.memory_space<vmem>> -> memref<1x50xi32, #tpu.memory_space<vmem>>
    %dma_start3A_180 = tpu.memref_squeeze %dma_start3A_179 : memref<1x50xi32, #tpu.memory_space<vmem>> -> memref<50xi32, #tpu.memory_space<vmem>>
    %dma_start3A_181 = arith.constant 0 : i32
    %dma_start3A_182 = arith.constant 0 : i32
    %dma_start3A_183 = tpu.memref_slice %arg3[%dma_start3A_181, %dma_start3A_182] : memref<1000000x32xf32, #tpu.memory_space<hbm>> -> memref<1000000x32xf32, #tpu.memory_space<hbm>>
    tpu.enqueue_indirect_dma source(%dma_start3A_183 : memref<1000000x32xf32, #tpu.memory_space<hbm>>) target(%dma_start3A_177 : memref<50x32xf32, #tpu.memory_space<vmem>>) offsets(%dma_start3A_180 : memref<50xi32, #tpu.memory_space<vmem>>) semaphore(%arg7 : memref<!tpu.dma_semaphore, #tpu.memory_space<semaphore_mem>>)
    %dma_start3A_184 = arith.constant 14 : i32
    %dma_start3A_185 = arith.constant 0 : i32
    %dma_start3A_186 = arith.constant 14 : i32
    %dma_start3A_187 = arith.constant 0 : i32
    %dma_start3A_188 = arith.constant 0 : i32
    %dma_start3A_189 = tpu.memref_slice %arg6[%dma_start3A_185, %dma_start3A_186, %dma_start3A_187, %dma_start3A_188] : memref<2x16x50x32xf32, #tpu.memory_space<vmem>> -> memref<1x1x50x32xf32, #tpu.memory_space<vmem>>
    %dma_start3A_190 = tpu.memref_squeeze %dma_start3A_189 : memref<1x1x50x32xf32, #tpu.memory_space<vmem>> -> memref<50x32xf32, #tpu.memory_space<vmem>>
    %dma_start3A_191 = arith.constant 0 : i32
    %dma_start3A_192 = tpu.memref_slice %arg5[%dma_start3A_184, %dma_start3A_191] : memref<512x50xi32, #tpu.memory_space<vmem>> -> memref<1x50xi32, #tpu.memory_space<vmem>>
    %dma_start3A_193 = tpu.memref_squeeze %dma_start3A_192 : memref<1x50xi32, #tpu.memory_space<vmem>> -> memref<50xi32, #tpu.memory_space<vmem>>
    %dma_start3A_194 = arith.constant 0 : i32
    %dma_start3A_195 = arith.constant 0 : i32
    %dma_start3A_196 = tpu.memref_slice %arg3[%dma_start3A_194, %dma_start3A_195] : memref<1000000x32xf32, #tpu.memory_space<hbm>> -> memref<1000000x32xf32, #tpu.memory_space<hbm>>
    tpu.enqueue_indirect_dma source(%dma_start3A_196 : memref<1000000x32xf32, #tpu.memory_space<hbm>>) target(%dma_start3A_190 : memref<50x32xf32, #tpu.memory_space<vmem>>) offsets(%dma_start3A_193 : memref<50xi32, #tpu.memory_space<vmem>>) semaphore(%arg7 : memref<!tpu.dma_semaphore, #tpu.memory_space<semaphore_mem>>)
    %dma_start3A_197 = arith.constant 15 : i32
    %dma_start3A_198 = arith.constant 0 : i32
    %dma_start3A_199 = arith.constant 15 : i32
    %dma_start3A_200 = arith.constant 0 : i32
    %dma_start3A_201 = arith.constant 0 : i32
    %dma_start3A_202 = tpu.memref_slice %arg6[%dma_start3A_198, %dma_start3A_199, %dma_start3A_200, %dma_start3A_201] : memref<2x16x50x32xf32, #tpu.memory_space<vmem>> -> memref<1x1x50x32xf32, #tpu.memory_space<vmem>>
    %dma_start3A_203 = tpu.memref_squeeze %dma_start3A_202 : memref<1x1x50x32xf32, #tpu.memory_space<vmem>> -> memref<50x32xf32, #tpu.memory_space<vmem>>
    %dma_start3A_204 = arith.constant 0 : i32
    %dma_start3A_205 = tpu.memref_slice %arg5[%dma_start3A_197, %dma_start3A_204] : memref<512x50xi32, #tpu.memory_space<vmem>> -> memref<1x50xi32, #tpu.memory_space<vmem>>
    %dma_start3A_206 = tpu.memref_squeeze %dma_start3A_205 : memref<1x50xi32, #tpu.memory_space<vmem>> -> memref<50xi32, #tpu.memory_space<vmem>>
    %dma_start3A_207 = arith.constant 0 : i32
    %dma_start3A_208 = arith.constant 0 : i32
    %dma_start3A_209 = tpu.memref_slice %arg3[%dma_start3A_207, %dma_start3A_208] : memref<1000000x32xf32, #tpu.memory_space<hbm>> -> memref<1000000x32xf32, #tpu.memory_space<hbm>>
    tpu.enqueue_indirect_dma source(%dma_start3A_209 : memref<1000000x32xf32, #tpu.memory_space<hbm>>) target(%dma_start3A_203 : memref<50x32xf32, #tpu.memory_space<vmem>>) offsets(%dma_start3A_206 : memref<50xi32, #tpu.memory_space<vmem>>) semaphore(%arg7 : memref<!tpu.dma_semaphore, #tpu.memory_space<semaphore_mem>>)
    %scan3A = arith.constant 0 : i32
    %scan3A_210 = arith.constant 0 : i32
    %scan3A_211 = arith.constant 32 : i32
    %scan3A_212 = arith.addi %scan3A_210, %scan3A_211 : i32
    %scan3A_213 = arith.constant 1 : i32
    scf.for %scan3A_234 = %scan3A_210 to %scan3A_212 step %scan3A_213  : i32 {
      %rem3A_235 = arith.constant 2 : i32
      %rem3A_236 = arith.remsi %scan3A_234, %rem3A_235 : i32
      %mul3A_237 = arith.constant 16 : i32
      %mul3A_238 = arith.muli %scan3A_234, %mul3A_237 : i32
      %add3A_239 = arith.constant 0 : i32
      %add3A_240 = arith.addi %mul3A_238, %add3A_239 : i32
      %dma_wait3A_241 = arith.constant 0 : i32
      %dma_wait3A_242 = arith.constant 0 : i32
      %dma_wait3A_243 = arith.constant 0 : i32
      %dma_wait3A_244 = tpu.memref_slice %arg6[%rem3A_236, %dma_wait3A_241, %dma_wait3A_242, %dma_wait3A_243] : memref<2x16x50x32xf32, #tpu.memory_space<vmem>> -> memref<1x1x50x32xf32, #tpu.memory_space<vmem>>
      %dma_wait3A_245 = tpu.memref_squeeze %dma_wait3A_244 : memref<1x1x50x32xf32, #tpu.memory_space<vmem>> -> memref<50x32xf32, #tpu.memory_space<vmem>>
      %dma_wait3A_246 = arith.constant 0 : i32
      %dma_wait3A_247 = tpu.memref_slice %arg5[%add3A_240, %dma_wait3A_246] : memref<512x50xi32, #tpu.memory_space<vmem>> -> memref<1x50xi32, #tpu.memory_space<vmem>>
      %dma_wait3A_248 = tpu.memref_squeeze %dma_wait3A_247 : memref<1x50xi32, #tpu.memory_space<vmem>> -> memref<50xi32, #tpu.memory_space<vmem>>
      %dma_wait3A_249 = arith.constant 0 : i32
      %dma_wait3A_250 = arith.constant 0 : i32
      %dma_wait3A_251 = tpu.memref_slice %arg3[%dma_wait3A_249, %dma_wait3A_250] : memref<1000000x32xf32, #tpu.memory_space<hbm>> -> memref<1000000x32xf32, #tpu.memory_space<hbm>>
      tpu.wait_indirect_dma semaphore(%arg7 : memref<!tpu.dma_semaphore, #tpu.memory_space<semaphore_mem>>) src(%dma_wait3A_251 : memref<1000000x32xf32, #tpu.memory_space<hbm>>) dst(%dma_wait3A_245 : memref<50x32xf32, #tpu.memory_space<vmem>>)
      %mul3A_252 = arith.constant 16 : i32
      %mul3A_253 = arith.muli %scan3A_234, %mul3A_252 : i32
      %add3A_254 = arith.constant 1 : i32
      %add3A_255 = arith.addi %mul3A_253, %add3A_254 : i32
      %dma_wait3A_256 = arith.constant 1 : i32
      %dma_wait3A_257 = arith.constant 0 : i32
      %dma_wait3A_258 = arith.constant 0 : i32
      %dma_wait3A_259 = tpu.memref_slice %arg6[%rem3A_236, %dma_wait3A_256, %dma_wait3A_257, %dma_wait3A_258] : memref<2x16x50x32xf32, #tpu.memory_space<vmem>> -> memref<1x1x50x32xf32, #tpu.memory_space<vmem>>
      %dma_wait3A_260 = tpu.memref_squeeze %dma_wait3A_259 : memref<1x1x50x32xf32, #tpu.memory_space<vmem>> -> memref<50x32xf32, #tpu.memory_space<vmem>>
      %dma_wait3A_261 = arith.constant 0 : i32
      %dma_wait3A_262 = tpu.memref_slice %arg5[%add3A_255, %dma_wait3A_261] : memref<512x50xi32, #tpu.memory_space<vmem>> -> memref<1x50xi32, #tpu.memory_space<vmem>>
      %dma_wait3A_263 = tpu.memref_squeeze %dma_wait3A_262 : memref<1x50xi32, #tpu.memory_space<vmem>> -> memref<50xi32, #tpu.memory_space<vmem>>
      %dma_wait3A_264 = arith.constant 0 : i32
      %dma_wait3A_265 = arith.constant 0 : i32
      %dma_wait3A_266 = tpu.memref_slice %arg3[%dma_wait3A_264, %dma_wait3A_265] : memref<1000000x32xf32, #tpu.memory_space<hbm>> -> memref<1000000x32xf32, #tpu.memory_space<hbm>>
      tpu.wait_indirect_dma semaphore(%arg7 : memref<!tpu.dma_semaphore, #tpu.memory_space<semaphore_mem>>) src(%dma_wait3A_266 : memref<1000000x32xf32, #tpu.memory_space<hbm>>) dst(%dma_wait3A_260 : memref<50x32xf32, #tpu.memory_space<vmem>>)
      %mul3A_267 = arith.constant 16 : i32
      %mul3A_268 = arith.muli %scan3A_234, %mul3A_267 : i32
      %add3A_269 = arith.constant 2 : i32
      %add3A_270 = arith.addi %mul3A_268, %add3A_269 : i32
      %dma_wait3A_271 = arith.constant 2 : i32
      %dma_wait3A_272 = arith.constant 0 : i32
      %dma_wait3A_273 = arith.constant 0 : i32
      %dma_wait3A_274 = tpu.memref_slice %arg6[%rem3A_236, %dma_wait3A_271, %dma_wait3A_272, %dma_wait3A_273] : memref<2x16x50x32xf32, #tpu.memory_space<vmem>> -> memref<1x1x50x32xf32, #tpu.memory_space<vmem>>
      %dma_wait3A_275 = tpu.memref_squeeze %dma_wait3A_274 : memref<1x1x50x32xf32, #tpu.memory_space<vmem>> -> memref<50x32xf32, #tpu.memory_space<vmem>>
      %dma_wait3A_276 = arith.constant 0 : i32
      %dma_wait3A_277 = tpu.memref_slice %arg5[%add3A_270, %dma_wait3A_276] : memref<512x50xi32, #tpu.memory_space<vmem>> -> memref<1x50xi32, #tpu.memory_space<vmem>>
      %dma_wait3A_278 = tpu.memref_squeeze %dma_wait3A_277 : memref<1x50xi32, #tpu.memory_space<vmem>> -> memref<50xi32, #tpu.memory_space<vmem>>
      %dma_wait3A_279 = arith.constant 0 : i32
      %dma_wait3A_280 = arith.constant 0 : i32
      %dma_wait3A_281 = tpu.memref_slice %arg3[%dma_wait3A_279, %dma_wait3A_280] : memref<1000000x32xf32, #tpu.memory_space<hbm>> -> memref<1000000x32xf32, #tpu.memory_space<hbm>>
      tpu.wait_indirect_dma semaphore(%arg7 : memref<!tpu.dma_semaphore, #tpu.memory_space<semaphore_mem>>) src(%dma_wait3A_281 : memref<1000000x32xf32, #tpu.memory_space<hbm>>) dst(%dma_wait3A_275 : memref<50x32xf32, #tpu.memory_space<vmem>>)
      %mul3A_282 = arith.constant 16 : i32
      %mul3A_283 = arith.muli %scan3A_234, %mul3A_282 : i32
      %add3A_284 = arith.constant 3 : i32
      %add3A_285 = arith.addi %mul3A_283, %add3A_284 : i32
      %dma_wait3A_286 = arith.constant 3 : i32
      %dma_wait3A_287 = arith.constant 0 : i32
      %dma_wait3A_288 = arith.constant 0 : i32
      %dma_wait3A_289 = tpu.memref_slice %arg6[%rem3A_236, %dma_wait3A_286, %dma_wait3A_287, %dma_wait3A_288] : memref<2x16x50x32xf32, #tpu.memory_space<vmem>> -> memref<1x1x50x32xf32, #tpu.memory_space<vmem>>
      %dma_wait3A_290 = tpu.memref_squeeze %dma_wait3A_289 : memref<1x1x50x32xf32, #tpu.memory_space<vmem>> -> memref<50x32xf32, #tpu.memory_space<vmem>>
      %dma_wait3A_291 = arith.constant 0 : i32
      %dma_wait3A_292 = tpu.memref_slice %arg5[%add3A_285, %dma_wait3A_291] : memref<512x50xi32, #tpu.memory_space<vmem>> -> memref<1x50xi32, #tpu.memory_space<vmem>>
      %dma_wait3A_293 = tpu.memref_squeeze %dma_wait3A_292 : memref<1x50xi32, #tpu.memory_space<vmem>> -> memref<50xi32, #tpu.memory_space<vmem>>
      %dma_wait3A_294 = arith.constant 0 : i32
      %dma_wait3A_295 = arith.constant 0 : i32
      %dma_wait3A_296 = tpu.memref_slice %arg3[%dma_wait3A_294, %dma_wait3A_295] : memref<1000000x32xf32, #tpu.memory_space<hbm>> -> memref<1000000x32xf32, #tpu.memory_space<hbm>>
      tpu.wait_indirect_dma semaphore(%arg7 : memref<!tpu.dma_semaphore, #tpu.memory_space<semaphore_mem>>) src(%dma_wait3A_296 : memref<1000000x32xf32, #tpu.memory_space<hbm>>) dst(%dma_wait3A_290 : memref<50x32xf32, #tpu.memory_space<vmem>>)
      %mul3A_297 = arith.constant 16 : i32
      %mul3A_298 = arith.muli %scan3A_234, %mul3A_297 : i32
      %add3A_299 = arith.constant 4 : i32
      %add3A_300 = arith.addi %mul3A_298, %add3A_299 : i32
      %dma_wait3A_301 = arith.constant 4 : i32
      %dma_wait3A_302 = arith.constant 0 : i32
      %dma_wait3A_303 = arith.constant 0 : i32
      %dma_wait3A_304 = tpu.memref_slice %arg6[%rem3A_236, %dma_wait3A_301, %dma_wait3A_302, %dma_wait3A_303] : memref<2x16x50x32xf32, #tpu.memory_space<vmem>> -> memref<1x1x50x32xf32, #tpu.memory_space<vmem>>
      %dma_wait3A_305 = tpu.memref_squeeze %dma_wait3A_304 : memref<1x1x50x32xf32, #tpu.memory_space<vmem>> -> memref<50x32xf32, #tpu.memory_space<vmem>>
      %dma_wait3A_306 = arith.constant 0 : i32
      %dma_wait3A_307 = tpu.memref_slice %arg5[%add3A_300, %dma_wait3A_306] : memref<512x50xi32, #tpu.memory_space<vmem>> -> memref<1x50xi32, #tpu.memory_space<vmem>>
      %dma_wait3A_308 = tpu.memref_squeeze %dma_wait3A_307 : memref<1x50xi32, #tpu.memory_space<vmem>> -> memref<50xi32, #tpu.memory_space<vmem>>
      %dma_wait3A_309 = arith.constant 0 : i32
      %dma_wait3A_310 = arith.constant 0 : i32
      %dma_wait3A_311 = tpu.memref_slice %arg3[%dma_wait3A_309, %dma_wait3A_310] : memref<1000000x32xf32, #tpu.memory_space<hbm>> -> memref<1000000x32xf32, #tpu.memory_space<hbm>>
      tpu.wait_indirect_dma semaphore(%arg7 : memref<!tpu.dma_semaphore, #tpu.memory_space<semaphore_mem>>) src(%dma_wait3A_311 : memref<1000000x32xf32, #tpu.memory_space<hbm>>) dst(%dma_wait3A_305 : memref<50x32xf32, #tpu.memory_space<vmem>>)
      %mul3A_312 = arith.constant 16 : i32
      %mul3A_313 = arith.muli %scan3A_234, %mul3A_312 : i32
      %add3A_314 = arith.constant 5 : i32
      %add3A_315 = arith.addi %mul3A_313, %add3A_314 : i32
      %dma_wait3A_316 = arith.constant 5 : i32
      %dma_wait3A_317 = arith.constant 0 : i32
      %dma_wait3A_318 = arith.constant 0 : i32
      %dma_wait3A_319 = tpu.memref_slice %arg6[%rem3A_236, %dma_wait3A_316, %dma_wait3A_317, %dma_wait3A_318] : memref<2x16x50x32xf32, #tpu.memory_space<vmem>> -> memref<1x1x50x32xf32, #tpu.memory_space<vmem>>
      %dma_wait3A_320 = tpu.memref_squeeze %dma_wait3A_319 : memref<1x1x50x32xf32, #tpu.memory_space<vmem>> -> memref<50x32xf32, #tpu.memory_space<vmem>>
      %dma_wait3A_321 = arith.constant 0 : i32
      %dma_wait3A_322 = tpu.memref_slice %arg5[%add3A_315, %dma_wait3A_321] : memref<512x50xi32, #tpu.memory_space<vmem>> -> memref<1x50xi32, #tpu.memory_space<vmem>>
      %dma_wait3A_323 = tpu.memref_squeeze %dma_wait3A_322 : memref<1x50xi32, #tpu.memory_space<vmem>> -> memref<50xi32, #tpu.memory_space<vmem>>
      %dma_wait3A_324 = arith.constant 0 : i32
      %dma_wait3A_325 = arith.constant 0 : i32
      %dma_wait3A_326 = tpu.memref_slice %arg3[%dma_wait3A_324, %dma_wait3A_325] : memref<1000000x32xf32, #tpu.memory_space<hbm>> -> memref<1000000x32xf32, #tpu.memory_space<hbm>>
      tpu.wait_indirect_dma semaphore(%arg7 : memref<!tpu.dma_semaphore, #tpu.memory_space<semaphore_mem>>) src(%dma_wait3A_326 : memref<1000000x32xf32, #tpu.memory_space<hbm>>) dst(%dma_wait3A_320 : memref<50x32xf32, #tpu.memory_space<vmem>>)
      %mul3A_327 = arith.constant 16 : i32
      %mul3A_328 = arith.muli %scan3A_234, %mul3A_327 : i32
      %add3A_329 = arith.constant 6 : i32
      %add3A_330 = arith.addi %mul3A_328, %add3A_329 : i32
      %dma_wait3A_331 = arith.constant 6 : i32
      %dma_wait3A_332 = arith.constant 0 : i32
      %dma_wait3A_333 = arith.constant 0 : i32
      %dma_wait3A_334 = tpu.memref_slice %arg6[%rem3A_236, %dma_wait3A_331, %dma_wait3A_332, %dma_wait3A_333] : memref<2x16x50x32xf32, #tpu.memory_space<vmem>> -> memref<1x1x50x32xf32, #tpu.memory_space<vmem>>
      %dma_wait3A_335 = tpu.memref_squeeze %dma_wait3A_334 : memref<1x1x50x32xf32, #tpu.memory_space<vmem>> -> memref<50x32xf32, #tpu.memory_space<vmem>>
      %dma_wait3A_336 = arith.constant 0 : i32
      %dma_wait3A_337 = tpu.memref_slice %arg5[%add3A_330, %dma_wait3A_336] : memref<512x50xi32, #tpu.memory_space<vmem>> -> memref<1x50xi32, #tpu.memory_space<vmem>>
      %dma_wait3A_338 = tpu.memref_squeeze %dma_wait3A_337 : memref<1x50xi32, #tpu.memory_space<vmem>> -> memref<50xi32, #tpu.memory_space<vmem>>
      %dma_wait3A_339 = arith.constant 0 : i32
      %dma_wait3A_340 = arith.constant 0 : i32
      %dma_wait3A_341 = tpu.memref_slice %arg3[%dma_wait3A_339, %dma_wait3A_340] : memref<1000000x32xf32, #tpu.memory_space<hbm>> -> memref<1000000x32xf32, #tpu.memory_space<hbm>>
      tpu.wait_indirect_dma semaphore(%arg7 : memref<!tpu.dma_semaphore, #tpu.memory_space<semaphore_mem>>) src(%dma_wait3A_341 : memref<1000000x32xf32, #tpu.memory_space<hbm>>) dst(%dma_wait3A_335 : memref<50x32xf32, #tpu.memory_space<vmem>>)
      %mul3A_342 = arith.constant 16 : i32
      %mul3A_343 = arith.muli %scan3A_234, %mul3A_342 : i32
      %add3A_344 = arith.constant 7 : i32
      %add3A_345 = arith.addi %mul3A_343, %add3A_344 : i32
      %dma_wait3A_346 = arith.constant 7 : i32
      %dma_wait3A_347 = arith.constant 0 : i32
      %dma_wait3A_348 = arith.constant 0 : i32
      %dma_wait3A_349 = tpu.memref_slice %arg6[%rem3A_236, %dma_wait3A_346, %dma_wait3A_347, %dma_wait3A_348] : memref<2x16x50x32xf32, #tpu.memory_space<vmem>> -> memref<1x1x50x32xf32, #tpu.memory_space<vmem>>
      %dma_wait3A_350 = tpu.memref_squeeze %dma_wait3A_349 : memref<1x1x50x32xf32, #tpu.memory_space<vmem>> -> memref<50x32xf32, #tpu.memory_space<vmem>>
      %dma_wait3A_351 = arith.constant 0 : i32
      %dma_wait3A_352 = tpu.memref_slice %arg5[%add3A_345, %dma_wait3A_351] : memref<512x50xi32, #tpu.memory_space<vmem>> -> memref<1x50xi32, #tpu.memory_space<vmem>>
      %dma_wait3A_353 = tpu.memref_squeeze %dma_wait3A_352 : memref<1x50xi32, #tpu.memory_space<vmem>> -> memref<50xi32, #tpu.memory_space<vmem>>
      %dma_wait3A_354 = arith.constant 0 : i32
      %dma_wait3A_355 = arith.constant 0 : i32
      %dma_wait3A_356 = tpu.memref_slice %arg3[%dma_wait3A_354, %dma_wait3A_355] : memref<1000000x32xf32, #tpu.memory_space<hbm>> -> memref<1000000x32xf32, #tpu.memory_space<hbm>>
      tpu.wait_indirect_dma semaphore(%arg7 : memref<!tpu.dma_semaphore, #tpu.memory_space<semaphore_mem>>) src(%dma_wait3A_356 : memref<1000000x32xf32, #tpu.memory_space<hbm>>) dst(%dma_wait3A_350 : memref<50x32xf32, #tpu.memory_space<vmem>>)
      %mul3A_357 = arith.constant 16 : i32
      %mul3A_358 = arith.muli %scan3A_234, %mul3A_357 : i32
      %add3A_359 = arith.constant 8 : i32
      %add3A_360 = arith.addi %mul3A_358, %add3A_359 : i32
      %dma_wait3A_361 = arith.constant 8 : i32
      %dma_wait3A_362 = arith.constant 0 : i32
      %dma_wait3A_363 = arith.constant 0 : i32
      %dma_wait3A_364 = tpu.memref_slice %arg6[%rem3A_236, %dma_wait3A_361, %dma_wait3A_362, %dma_wait3A_363] : memref<2x16x50x32xf32, #tpu.memory_space<vmem>> -> memref<1x1x50x32xf32, #tpu.memory_space<vmem>>
      %dma_wait3A_365 = tpu.memref_squeeze %dma_wait3A_364 : memref<1x1x50x32xf32, #tpu.memory_space<vmem>> -> memref<50x32xf32, #tpu.memory_space<vmem>>
      %dma_wait3A_366 = arith.constant 0 : i32
      %dma_wait3A_367 = tpu.memref_slice %arg5[%add3A_360, %dma_wait3A_366] : memref<512x50xi32, #tpu.memory_space<vmem>> -> memref<1x50xi32, #tpu.memory_space<vmem>>
      %dma_wait3A_368 = tpu.memref_squeeze %dma_wait3A_367 : memref<1x50xi32, #tpu.memory_space<vmem>> -> memref<50xi32, #tpu.memory_space<vmem>>
      %dma_wait3A_369 = arith.constant 0 : i32
      %dma_wait3A_370 = arith.constant 0 : i32
      %dma_wait3A_371 = tpu.memref_slice %arg3[%dma_wait3A_369, %dma_wait3A_370] : memref<1000000x32xf32, #tpu.memory_space<hbm>> -> memref<1000000x32xf32, #tpu.memory_space<hbm>>
      tpu.wait_indirect_dma semaphore(%arg7 : memref<!tpu.dma_semaphore, #tpu.memory_space<semaphore_mem>>) src(%dma_wait3A_371 : memref<1000000x32xf32, #tpu.memory_space<hbm>>) dst(%dma_wait3A_365 : memref<50x32xf32, #tpu.memory_space<vmem>>)
      %mul3A_372 = arith.constant 16 : i32
      %mul3A_373 = arith.muli %scan3A_234, %mul3A_372 : i32
      %add3A_374 = arith.constant 9 : i32
      %add3A_375 = arith.addi %mul3A_373, %add3A_374 : i32
      %dma_wait3A_376 = arith.constant 9 : i32
      %dma_wait3A_377 = arith.constant 0 : i32
      %dma_wait3A_378 = arith.constant 0 : i32
      %dma_wait3A_379 = tpu.memref_slice %arg6[%rem3A_236, %dma_wait3A_376, %dma_wait3A_377, %dma_wait3A_378] : memref<2x16x50x32xf32, #tpu.memory_space<vmem>> -> memref<1x1x50x32xf32, #tpu.memory_space<vmem>>
      %dma_wait3A_380 = tpu.memref_squeeze %dma_wait3A_379 : memref<1x1x50x32xf32, #tpu.memory_space<vmem>> -> memref<50x32xf32, #tpu.memory_space<vmem>>
      %dma_wait3A_381 = arith.constant 0 : i32
      %dma_wait3A_382 = tpu.memref_slice %arg5[%add3A_375, %dma_wait3A_381] : memref<512x50xi32, #tpu.memory_space<vmem>> -> memref<1x50xi32, #tpu.memory_space<vmem>>
      %dma_wait3A_383 = tpu.memref_squeeze %dma_wait3A_382 : memref<1x50xi32, #tpu.memory_space<vmem>> -> memref<50xi32, #tpu.memory_space<vmem>>
      %dma_wait3A_384 = arith.constant 0 : i32
      %dma_wait3A_385 = arith.constant 0 : i32
      %dma_wait3A_386 = tpu.memref_slice %arg3[%dma_wait3A_384, %dma_wait3A_385] : memref<1000000x32xf32, #tpu.memory_space<hbm>> -> memref<1000000x32xf32, #tpu.memory_space<hbm>>
      tpu.wait_indirect_dma semaphore(%arg7 : memref<!tpu.dma_semaphore, #tpu.memory_space<semaphore_mem>>) src(%dma_wait3A_386 : memref<1000000x32xf32, #tpu.memory_space<hbm>>) dst(%dma_wait3A_380 : memref<50x32xf32, #tpu.memory_space<vmem>>)
      %mul3A_387 = arith.constant 16 : i32
      %mul3A_388 = arith.muli %scan3A_234, %mul3A_387 : i32
      %add3A_389 = arith.constant 10 : i32
      %add3A_390 = arith.addi %mul3A_388, %add3A_389 : i32
      %dma_wait3A_391 = arith.constant 10 : i32
      %dma_wait3A_392 = arith.constant 0 : i32
      %dma_wait3A_393 = arith.constant 0 : i32
      %dma_wait3A_394 = tpu.memref_slice %arg6[%rem3A_236, %dma_wait3A_391, %dma_wait3A_392, %dma_wait3A_393] : memref<2x16x50x32xf32, #tpu.memory_space<vmem>> -> memref<1x1x50x32xf32, #tpu.memory_space<vmem>>
      %dma_wait3A_395 = tpu.memref_squeeze %dma_wait3A_394 : memref<1x1x50x32xf32, #tpu.memory_space<vmem>> -> memref<50x32xf32, #tpu.memory_space<vmem>>
      %dma_wait3A_396 = arith.constant 0 : i32
      %dma_wait3A_397 = tpu.memref_slice %arg5[%add3A_390, %dma_wait3A_396] : memref<512x50xi32, #tpu.memory_space<vmem>> -> memref<1x50xi32, #tpu.memory_space<vmem>>
      %dma_wait3A_398 = tpu.memref_squeeze %dma_wait3A_397 : memref<1x50xi32, #tpu.memory_space<vmem>> -> memref<50xi32, #tpu.memory_space<vmem>>
      %dma_wait3A_399 = arith.constant 0 : i32
      %dma_wait3A_400 = arith.constant 0 : i32
      %dma_wait3A_401 = tpu.memref_slice %arg3[%dma_wait3A_399, %dma_wait3A_400] : memref<1000000x32xf32, #tpu.memory_space<hbm>> -> memref<1000000x32xf32, #tpu.memory_space<hbm>>
      tpu.wait_indirect_dma semaphore(%arg7 : memref<!tpu.dma_semaphore, #tpu.memory_space<semaphore_mem>>) src(%dma_wait3A_401 : memref<1000000x32xf32, #tpu.memory_space<hbm>>) dst(%dma_wait3A_395 : memref<50x32xf32, #tpu.memory_space<vmem>>)
      %mul3A_402 = arith.constant 16 : i32
      %mul3A_403 = arith.muli %scan3A_234, %mul3A_402 : i32
      %add3A_404 = arith.constant 11 : i32
      %add3A_405 = arith.addi %mul3A_403, %add3A_404 : i32
      %dma_wait3A_406 = arith.constant 11 : i32
      %dma_wait3A_407 = arith.constant 0 : i32
      %dma_wait3A_408 = arith.constant 0 : i32
      %dma_wait3A_409 = tpu.memref_slice %arg6[%rem3A_236, %dma_wait3A_406, %dma_wait3A_407, %dma_wait3A_408] : memref<2x16x50x32xf32, #tpu.memory_space<vmem>> -> memref<1x1x50x32xf32, #tpu.memory_space<vmem>>
      %dma_wait3A_410 = tpu.memref_squeeze %dma_wait3A_409 : memref<1x1x50x32xf32, #tpu.memory_space<vmem>> -> memref<50x32xf32, #tpu.memory_space<vmem>>
      %dma_wait3A_411 = arith.constant 0 : i32
      %dma_wait3A_412 = tpu.memref_slice %arg5[%add3A_405, %dma_wait3A_411] : memref<512x50xi32, #tpu.memory_space<vmem>> -> memref<1x50xi32, #tpu.memory_space<vmem>>
      %dma_wait3A_413 = tpu.memref_squeeze %dma_wait3A_412 : memref<1x50xi32, #tpu.memory_space<vmem>> -> memref<50xi32, #tpu.memory_space<vmem>>
      %dma_wait3A_414 = arith.constant 0 : i32
      %dma_wait3A_415 = arith.constant 0 : i32
      %dma_wait3A_416 = tpu.memref_slice %arg3[%dma_wait3A_414, %dma_wait3A_415] : memref<1000000x32xf32, #tpu.memory_space<hbm>> -> memref<1000000x32xf32, #tpu.memory_space<hbm>>
      tpu.wait_indirect_dma semaphore(%arg7 : memref<!tpu.dma_semaphore, #tpu.memory_space<semaphore_mem>>) src(%dma_wait3A_416 : memref<1000000x32xf32, #tpu.memory_space<hbm>>) dst(%dma_wait3A_410 : memref<50x32xf32, #tpu.memory_space<vmem>>)
      %mul3A_417 = arith.constant 16 : i32
      %mul3A_418 = arith.muli %scan3A_234, %mul3A_417 : i32
      %add3A_419 = arith.constant 12 : i32
      %add3A_420 = arith.addi %mul3A_418, %add3A_419 : i32
      %dma_wait3A_421 = arith.constant 12 : i32
      %dma_wait3A_422 = arith.constant 0 : i32
      %dma_wait3A_423 = arith.constant 0 : i32
      %dma_wait3A_424 = tpu.memref_slice %arg6[%rem3A_236, %dma_wait3A_421, %dma_wait3A_422, %dma_wait3A_423] : memref<2x16x50x32xf32, #tpu.memory_space<vmem>> -> memref<1x1x50x32xf32, #tpu.memory_space<vmem>>
      %dma_wait3A_425 = tpu.memref_squeeze %dma_wait3A_424 : memref<1x1x50x32xf32, #tpu.memory_space<vmem>> -> memref<50x32xf32, #tpu.memory_space<vmem>>
      %dma_wait3A_426 = arith.constant 0 : i32
      %dma_wait3A_427 = tpu.memref_slice %arg5[%add3A_420, %dma_wait3A_426] : memref<512x50xi32, #tpu.memory_space<vmem>> -> memref<1x50xi32, #tpu.memory_space<vmem>>
      %dma_wait3A_428 = tpu.memref_squeeze %dma_wait3A_427 : memref<1x50xi32, #tpu.memory_space<vmem>> -> memref<50xi32, #tpu.memory_space<vmem>>
      %dma_wait3A_429 = arith.constant 0 : i32
      %dma_wait3A_430 = arith.constant 0 : i32
      %dma_wait3A_431 = tpu.memref_slice %arg3[%dma_wait3A_429, %dma_wait3A_430] : memref<1000000x32xf32, #tpu.memory_space<hbm>> -> memref<1000000x32xf32, #tpu.memory_space<hbm>>
      tpu.wait_indirect_dma semaphore(%arg7 : memref<!tpu.dma_semaphore, #tpu.memory_space<semaphore_mem>>) src(%dma_wait3A_431 : memref<1000000x32xf32, #tpu.memory_space<hbm>>) dst(%dma_wait3A_425 : memref<50x32xf32, #tpu.memory_space<vmem>>)
      %mul3A_432 = arith.constant 16 : i32
      %mul3A_433 = arith.muli %scan3A_234, %mul3A_432 : i32
      %add3A_434 = arith.constant 13 : i32
      %add3A_435 = arith.addi %mul3A_433, %add3A_434 : i32
      %dma_wait3A_436 = arith.constant 13 : i32
      %dma_wait3A_437 = arith.constant 0 : i32
      %dma_wait3A_438 = arith.constant 0 : i32
      %dma_wait3A_439 = tpu.memref_slice %arg6[%rem3A_236, %dma_wait3A_436, %dma_wait3A_437, %dma_wait3A_438] : memref<2x16x50x32xf32, #tpu.memory_space<vmem>> -> memref<1x1x50x32xf32, #tpu.memory_space<vmem>>
      %dma_wait3A_440 = tpu.memref_squeeze %dma_wait3A_439 : memref<1x1x50x32xf32, #tpu.memory_space<vmem>> -> memref<50x32xf32, #tpu.memory_space<vmem>>
      %dma_wait3A_441 = arith.constant 0 : i32
      %dma_wait3A_442 = tpu.memref_slice %arg5[%add3A_435, %dma_wait3A_441] : memref<512x50xi32, #tpu.memory_space<vmem>> -> memref<1x50xi32, #tpu.memory_space<vmem>>
      %dma_wait3A_443 = tpu.memref_squeeze %dma_wait3A_442 : memref<1x50xi32, #tpu.memory_space<vmem>> -> memref<50xi32, #tpu.memory_space<vmem>>
      %dma_wait3A_444 = arith.constant 0 : i32
      %dma_wait3A_445 = arith.constant 0 : i32
      %dma_wait3A_446 = tpu.memref_slice %arg3[%dma_wait3A_444, %dma_wait3A_445] : memref<1000000x32xf32, #tpu.memory_space<hbm>> -> memref<1000000x32xf32, #tpu.memory_space<hbm>>
      tpu.wait_indirect_dma semaphore(%arg7 : memref<!tpu.dma_semaphore, #tpu.memory_space<semaphore_mem>>) src(%dma_wait3A_446 : memref<1000000x32xf32, #tpu.memory_space<hbm>>) dst(%dma_wait3A_440 : memref<50x32xf32, #tpu.memory_space<vmem>>)
      %mul3A_447 = arith.constant 16 : i32
      %mul3A_448 = arith.muli %scan3A_234, %mul3A_447 : i32
      %add3A_449 = arith.constant 14 : i32
      %add3A_450 = arith.addi %mul3A_448, %add3A_449 : i32
      %dma_wait3A_451 = arith.constant 14 : i32
      %dma_wait3A_452 = arith.constant 0 : i32
      %dma_wait3A_453 = arith.constant 0 : i32
      %dma_wait3A_454 = tpu.memref_slice %arg6[%rem3A_236, %dma_wait3A_451, %dma_wait3A_452, %dma_wait3A_453] : memref<2x16x50x32xf32, #tpu.memory_space<vmem>> -> memref<1x1x50x32xf32, #tpu.memory_space<vmem>>
      %dma_wait3A_455 = tpu.memref_squeeze %dma_wait3A_454 : memref<1x1x50x32xf32, #tpu.memory_space<vmem>> -> memref<50x32xf32, #tpu.memory_space<vmem>>
      %dma_wait3A_456 = arith.constant 0 : i32
      %dma_wait3A_457 = tpu.memref_slice %arg5[%add3A_450, %dma_wait3A_456] : memref<512x50xi32, #tpu.memory_space<vmem>> -> memref<1x50xi32, #tpu.memory_space<vmem>>
      %dma_wait3A_458 = tpu.memref_squeeze %dma_wait3A_457 : memref<1x50xi32, #tpu.memory_space<vmem>> -> memref<50xi32, #tpu.memory_space<vmem>>
      %dma_wait3A_459 = arith.constant 0 : i32
      %dma_wait3A_460 = arith.constant 0 : i32
      %dma_wait3A_461 = tpu.memref_slice %arg3[%dma_wait3A_459, %dma_wait3A_460] : memref<1000000x32xf32, #tpu.memory_space<hbm>> -> memref<1000000x32xf32, #tpu.memory_space<hbm>>
      tpu.wait_indirect_dma semaphore(%arg7 : memref<!tpu.dma_semaphore, #tpu.memory_space<semaphore_mem>>) src(%dma_wait3A_461 : memref<1000000x32xf32, #tpu.memory_space<hbm>>) dst(%dma_wait3A_455 : memref<50x32xf32, #tpu.memory_space<vmem>>)
      %mul3A_462 = arith.constant 16 : i32
      %mul3A_463 = arith.muli %scan3A_234, %mul3A_462 : i32
      %add3A_464 = arith.constant 15 : i32
      %add3A_465 = arith.addi %mul3A_463, %add3A_464 : i32
      %dma_wait3A_466 = arith.constant 15 : i32
      %dma_wait3A_467 = arith.constant 0 : i32
      %dma_wait3A_468 = arith.constant 0 : i32
      %dma_wait3A_469 = tpu.memref_slice %arg6[%rem3A_236, %dma_wait3A_466, %dma_wait3A_467, %dma_wait3A_468] : memref<2x16x50x32xf32, #tpu.memory_space<vmem>> -> memref<1x1x50x32xf32, #tpu.memory_space<vmem>>
      %dma_wait3A_470 = tpu.memref_squeeze %dma_wait3A_469 : memref<1x1x50x32xf32, #tpu.memory_space<vmem>> -> memref<50x32xf32, #tpu.memory_space<vmem>>
      %dma_wait3A_471 = arith.constant 0 : i32
      %dma_wait3A_472 = tpu.memref_slice %arg5[%add3A_465, %dma_wait3A_471] : memref<512x50xi32, #tpu.memory_space<vmem>> -> memref<1x50xi32, #tpu.memory_space<vmem>>
      %dma_wait3A_473 = tpu.memref_squeeze %dma_wait3A_472 : memref<1x50xi32, #tpu.memory_space<vmem>> -> memref<50xi32, #tpu.memory_space<vmem>>
      %dma_wait3A_474 = arith.constant 0 : i32
      %dma_wait3A_475 = arith.constant 0 : i32
      %dma_wait3A_476 = tpu.memref_slice %arg3[%dma_wait3A_474, %dma_wait3A_475] : memref<1000000x32xf32, #tpu.memory_space<hbm>> -> memref<1000000x32xf32, #tpu.memory_space<hbm>>
      tpu.wait_indirect_dma semaphore(%arg7 : memref<!tpu.dma_semaphore, #tpu.memory_space<semaphore_mem>>) src(%dma_wait3A_476 : memref<1000000x32xf32, #tpu.memory_space<hbm>>) dst(%dma_wait3A_470 : memref<50x32xf32, #tpu.memory_space<vmem>>)
      %ge3A = arith.constant 1 : i32
      %ge3A_477 = arith.cmpi sge, %scan3A_234, %ge3A : i32
      %convert_element_type3A = arith.extui %ge3A_477 : i1 to i32
      %cond3A = arith.constant 0 : i32
      %cond3A_478 = arith.cmpi ne, %convert_element_type3A, %cond3A : i32
      scf.if %cond3A_478 {
        %sub3A = arith.constant 1 : i32
        %sub3A_504 = arith.subi %scan3A_234, %sub3A : i32
        %sub3A_505 = arith.constant 1 : i32
        %sub3A_506 = arith.subi %sub3A_505, %rem3A_236 : i32
        %mul3A_507 = arith.constant 16 : i32
        %mul3A_508 = arith.muli %sub3A_504, %mul3A_507 : i32
        %add3A_509 = arith.addi %mul3A_2, %mul3A_508 : i32
        %dma_wait3A_510 = arith.constant 0 : i32
        %dma_wait3A_511 = arith.constant 0 : i32
        %dma_wait3A_512 = arith.constant 0 : i32
        %dma_wait3A_513 = tpu.memref_slice %arg6[%sub3A_506, %dma_wait3A_510, %dma_wait3A_511, %dma_wait3A_512] : memref<2x16x50x32xf32, #tpu.memory_space<vmem>> -> memref<1x16x50x32xf32, #tpu.memory_space<vmem>>
        %dma_wait3A_514 = tpu.memref_squeeze %dma_wait3A_513 : memref<1x16x50x32xf32, #tpu.memory_space<vmem>> -> memref<16x50x32xf32, #tpu.memory_space<vmem>>
        %dma_wait3A_515 = arith.constant 0 : i32
        %dma_wait3A_516 = arith.constant 0 : i32
        %dma_wait3A_517 = tpu.memref_slice %arg4[%add3A_509, %dma_wait3A_515, %dma_wait3A_516] : memref<16384x50x32xf32, #tpu.memory_space<hbm>> -> memref<16x50x32xf32, #tpu.memory_space<hbm>>
        %dma_wait3A_518 = arith.constant 0 : i32
        %dma_wait3A_519 = arith.constant 0 : i32
        %dma_wait3A_520 = tpu.memref_slice %arg4[%add3A_509, %dma_wait3A_518, %dma_wait3A_519] : memref<16384x50x32xf32, #tpu.memory_space<hbm>> -> memref<16x50x32xf32, #tpu.memory_space<hbm>>
        %dma_wait3A_521 = arith.constant 0 : i32
        %dma_wait3A_522 = arith.constant 0 : i32
        %dma_wait3A_523 = arith.constant 0 : i32
        %dma_wait3A_524 = tpu.memref_slice %arg6[%sub3A_506, %dma_wait3A_521, %dma_wait3A_522, %dma_wait3A_523] : memref<2x16x50x32xf32, #tpu.memory_space<vmem>> -> memref<1x16x50x32xf32, #tpu.memory_space<vmem>>
        %dma_wait3A_525 = tpu.memref_squeeze %dma_wait3A_524 : memref<1x16x50x32xf32, #tpu.memory_space<vmem>> -> memref<16x50x32xf32, #tpu.memory_space<vmem>>
        tpu.wait_dma2 semaphore(%arg8 : memref<!tpu.dma_semaphore, #tpu.memory_space<semaphore_mem>>) src(%dma_wait3A_525 : memref<16x50x32xf32, #tpu.memory_space<vmem>>) dst(%dma_wait3A_520 : memref<16x50x32xf32, #tpu.memory_space<hbm>>)
      } else {
      }
      %add3A_479 = arith.constant 1 : i32
      %add3A_480 = arith.addi %scan3A_234, %add3A_479 : i32
      %lt3A = arith.constant 32 : i32
      %lt3A_481 = arith.cmpi slt, %add3A_480, %lt3A : i32
      %convert_element_type3A_482 = arith.extui %lt3A_481 : i1 to i32
      %cond3A_483 = arith.constant 0 : i32
      %cond3A_484 = arith.cmpi ne, %convert_element_type3A_482, %cond3A_483 : i32
      scf.if %cond3A_484 {
        %add3A_504 = arith.constant 1 : i32
        %add3A_505 = arith.addi %scan3A_234, %add3A_504 : i32
        %sub3A = arith.constant 1 : i32
        %sub3A_506 = arith.subi %sub3A, %rem3A_236 : i32
        %mul3A_507 = arith.constant 16 : i32
        %mul3A_508 = arith.muli %add3A_505, %mul3A_507 : i32
        %add3A_509 = arith.constant 0 : i32
        %add3A_510 = arith.addi %mul3A_508, %add3A_509 : i32
        %dma_start3A_511 = arith.constant 0 : i32
        %dma_start3A_512 = arith.constant 0 : i32
        %dma_start3A_513 = arith.constant 0 : i32
        %dma_start3A_514 = tpu.memref_slice %arg6[%sub3A_506, %dma_start3A_511, %dma_start3A_512, %dma_start3A_513] : memref<2x16x50x32xf32, #tpu.memory_space<vmem>> -> memref<1x1x50x32xf32, #tpu.memory_space<vmem>>
        %dma_start3A_515 = tpu.memref_squeeze %dma_start3A_514 : memref<1x1x50x32xf32, #tpu.memory_space<vmem>> -> memref<50x32xf32, #tpu.memory_space<vmem>>
        %dma_start3A_516 = arith.constant 0 : i32
        %dma_start3A_517 = tpu.memref_slice %arg5[%add3A_510, %dma_start3A_516] : memref<512x50xi32, #tpu.memory_space<vmem>> -> memref<1x50xi32, #tpu.memory_space<vmem>>
        %dma_start3A_518 = tpu.memref_squeeze %dma_start3A_517 : memref<1x50xi32, #tpu.memory_space<vmem>> -> memref<50xi32, #tpu.memory_space<vmem>>
        %dma_start3A_519 = arith.constant 0 : i32
        %dma_start3A_520 = arith.constant 0 : i32
        %dma_start3A_521 = tpu.memref_slice %arg3[%dma_start3A_519, %dma_start3A_520] : memref<1000000x32xf32, #tpu.memory_space<hbm>> -> memref<1000000x32xf32, #tpu.memory_space<hbm>>
        tpu.enqueue_indirect_dma source(%dma_start3A_521 : memref<1000000x32xf32, #tpu.memory_space<hbm>>) target(%dma_start3A_515 : memref<50x32xf32, #tpu.memory_space<vmem>>) offsets(%dma_start3A_518 : memref<50xi32, #tpu.memory_space<vmem>>) semaphore(%arg7 : memref<!tpu.dma_semaphore, #tpu.memory_space<semaphore_mem>>)
        %mul3A_522 = arith.constant 16 : i32
        %mul3A_523 = arith.muli %add3A_505, %mul3A_522 : i32
        %add3A_524 = arith.constant 1 : i32
        %add3A_525 = arith.addi %mul3A_523, %add3A_524 : i32
        %dma_start3A_526 = arith.constant 1 : i32
        %dma_start3A_527 = arith.constant 0 : i32
        %dma_start3A_528 = arith.constant 0 : i32
        %dma_start3A_529 = tpu.memref_slice %arg6[%sub3A_506, %dma_start3A_526, %dma_start3A_527, %dma_start3A_528] : memref<2x16x50x32xf32, #tpu.memory_space<vmem>> -> memref<1x1x50x32xf32, #tpu.memory_space<vmem>>
        %dma_start3A_530 = tpu.memref_squeeze %dma_start3A_529 : memref<1x1x50x32xf32, #tpu.memory_space<vmem>> -> memref<50x32xf32, #tpu.memory_space<vmem>>
        %dma_start3A_531 = arith.constant 0 : i32
        %dma_start3A_532 = tpu.memref_slice %arg5[%add3A_525, %dma_start3A_531] : memref<512x50xi32, #tpu.memory_space<vmem>> -> memref<1x50xi32, #tpu.memory_space<vmem>>
        %dma_start3A_533 = tpu.memref_squeeze %dma_start3A_532 : memref<1x50xi32, #tpu.memory_space<vmem>> -> memref<50xi32, #tpu.memory_space<vmem>>
        %dma_start3A_534 = arith.constant 0 : i32
        %dma_start3A_535 = arith.constant 0 : i32
        %dma_start3A_536 = tpu.memref_slice %arg3[%dma_start3A_534, %dma_start3A_535] : memref<1000000x32xf32, #tpu.memory_space<hbm>> -> memref<1000000x32xf32, #tpu.memory_space<hbm>>
        tpu.enqueue_indirect_dma source(%dma_start3A_536 : memref<1000000x32xf32, #tpu.memory_space<hbm>>) target(%dma_start3A_530 : memref<50x32xf32, #tpu.memory_space<vmem>>) offsets(%dma_start3A_533 : memref<50xi32, #tpu.memory_space<vmem>>) semaphore(%arg7 : memref<!tpu.dma_semaphore, #tpu.memory_space<semaphore_mem>>)
        %mul3A_537 = arith.constant 16 : i32
        %mul3A_538 = arith.muli %add3A_505, %mul3A_537 : i32
        %add3A_539 = arith.constant 2 : i32
        %add3A_540 = arith.addi %mul3A_538, %add3A_539 : i32
        %dma_start3A_541 = arith.constant 2 : i32
        %dma_start3A_542 = arith.constant 0 : i32
        %dma_start3A_543 = arith.constant 0 : i32
        %dma_start3A_544 = tpu.memref_slice %arg6[%sub3A_506, %dma_start3A_541, %dma_start3A_542, %dma_start3A_543] : memref<2x16x50x32xf32, #tpu.memory_space<vmem>> -> memref<1x1x50x32xf32, #tpu.memory_space<vmem>>
        %dma_start3A_545 = tpu.memref_squeeze %dma_start3A_544 : memref<1x1x50x32xf32, #tpu.memory_space<vmem>> -> memref<50x32xf32, #tpu.memory_space<vmem>>
        %dma_start3A_546 = arith.constant 0 : i32
        %dma_start3A_547 = tpu.memref_slice %arg5[%add3A_540, %dma_start3A_546] : memref<512x50xi32, #tpu.memory_space<vmem>> -> memref<1x50xi32, #tpu.memory_space<vmem>>
        %dma_start3A_548 = tpu.memref_squeeze %dma_start3A_547 : memref<1x50xi32, #tpu.memory_space<vmem>> -> memref<50xi32, #tpu.memory_space<vmem>>
        %dma_start3A_549 = arith.constant 0 : i32
        %dma_start3A_550 = arith.constant 0 : i32
        %dma_start3A_551 = tpu.memref_slice %arg3[%dma_start3A_549, %dma_start3A_550] : memref<1000000x32xf32, #tpu.memory_space<hbm>> -> memref<1000000x32xf32, #tpu.memory_space<hbm>>
        tpu.enqueue_indirect_dma source(%dma_start3A_551 : memref<1000000x32xf32, #tpu.memory_space<hbm>>) target(%dma_start3A_545 : memref<50x32xf32, #tpu.memory_space<vmem>>) offsets(%dma_start3A_548 : memref<50xi32, #tpu.memory_space<vmem>>) semaphore(%arg7 : memref<!tpu.dma_semaphore, #tpu.memory_space<semaphore_mem>>)
        %mul3A_552 = arith.constant 16 : i32
        %mul3A_553 = arith.muli %add3A_505, %mul3A_552 : i32
        %add3A_554 = arith.constant 3 : i32
        %add3A_555 = arith.addi %mul3A_553, %add3A_554 : i32
        %dma_start3A_556 = arith.constant 3 : i32
        %dma_start3A_557 = arith.constant 0 : i32
        %dma_start3A_558 = arith.constant 0 : i32
        %dma_start3A_559 = tpu.memref_slice %arg6[%sub3A_506, %dma_start3A_556, %dma_start3A_557, %dma_start3A_558] : memref<2x16x50x32xf32, #tpu.memory_space<vmem>> -> memref<1x1x50x32xf32, #tpu.memory_space<vmem>>
        %dma_start3A_560 = tpu.memref_squeeze %dma_start3A_559 : memref<1x1x50x32xf32, #tpu.memory_space<vmem>> -> memref<50x32xf32, #tpu.memory_space<vmem>>
        %dma_start3A_561 = arith.constant 0 : i32
        %dma_start3A_562 = tpu.memref_slice %arg5[%add3A_555, %dma_start3A_561] : memref<512x50xi32, #tpu.memory_space<vmem>> -> memref<1x50xi32, #tpu.memory_space<vmem>>
        %dma_start3A_563 = tpu.memref_squeeze %dma_start3A_562 : memref<1x50xi32, #tpu.memory_space<vmem>> -> memref<50xi32, #tpu.memory_space<vmem>>
        %dma_start3A_564 = arith.constant 0 : i32
        %dma_start3A_565 = arith.constant 0 : i32
        %dma_start3A_566 = tpu.memref_slice %arg3[%dma_start3A_564, %dma_start3A_565] : memref<1000000x32xf32, #tpu.memory_space<hbm>> -> memref<1000000x32xf32, #tpu.memory_space<hbm>>
        tpu.enqueue_indirect_dma source(%dma_start3A_566 : memref<1000000x32xf32, #tpu.memory_space<hbm>>) target(%dma_start3A_560 : memref<50x32xf32, #tpu.memory_space<vmem>>) offsets(%dma_start3A_563 : memref<50xi32, #tpu.memory_space<vmem>>) semaphore(%arg7 : memref<!tpu.dma_semaphore, #tpu.memory_space<semaphore_mem>>)
        %mul3A_567 = arith.constant 16 : i32
        %mul3A_568 = arith.muli %add3A_505, %mul3A_567 : i32
        %add3A_569 = arith.constant 4 : i32
        %add3A_570 = arith.addi %mul3A_568, %add3A_569 : i32
        %dma_start3A_571 = arith.constant 4 : i32
        %dma_start3A_572 = arith.constant 0 : i32
        %dma_start3A_573 = arith.constant 0 : i32
        %dma_start3A_574 = tpu.memref_slice %arg6[%sub3A_506, %dma_start3A_571, %dma_start3A_572, %dma_start3A_573] : memref<2x16x50x32xf32, #tpu.memory_space<vmem>> -> memref<1x1x50x32xf32, #tpu.memory_space<vmem>>
        %dma_start3A_575 = tpu.memref_squeeze %dma_start3A_574 : memref<1x1x50x32xf32, #tpu.memory_space<vmem>> -> memref<50x32xf32, #tpu.memory_space<vmem>>
        %dma_start3A_576 = arith.constant 0 : i32
        %dma_start3A_577 = tpu.memref_slice %arg5[%add3A_570, %dma_start3A_576] : memref<512x50xi32, #tpu.memory_space<vmem>> -> memref<1x50xi32, #tpu.memory_space<vmem>>
        %dma_start3A_578 = tpu.memref_squeeze %dma_start3A_577 : memref<1x50xi32, #tpu.memory_space<vmem>> -> memref<50xi32, #tpu.memory_space<vmem>>
        %dma_start3A_579 = arith.constant 0 : i32
        %dma_start3A_580 = arith.constant 0 : i32
        %dma_start3A_581 = tpu.memref_slice %arg3[%dma_start3A_579, %dma_start3A_580] : memref<1000000x32xf32, #tpu.memory_space<hbm>> -> memref<1000000x32xf32, #tpu.memory_space<hbm>>
        tpu.enqueue_indirect_dma source(%dma_start3A_581 : memref<1000000x32xf32, #tpu.memory_space<hbm>>) target(%dma_start3A_575 : memref<50x32xf32, #tpu.memory_space<vmem>>) offsets(%dma_start3A_578 : memref<50xi32, #tpu.memory_space<vmem>>) semaphore(%arg7 : memref<!tpu.dma_semaphore, #tpu.memory_space<semaphore_mem>>)
        %mul3A_582 = arith.constant 16 : i32
        %mul3A_583 = arith.muli %add3A_505, %mul3A_582 : i32
        %add3A_584 = arith.constant 5 : i32
        %add3A_585 = arith.addi %mul3A_583, %add3A_584 : i32
        %dma_start3A_586 = arith.constant 5 : i32
        %dma_start3A_587 = arith.constant 0 : i32
        %dma_start3A_588 = arith.constant 0 : i32
        %dma_start3A_589 = tpu.memref_slice %arg6[%sub3A_506, %dma_start3A_586, %dma_start3A_587, %dma_start3A_588] : memref<2x16x50x32xf32, #tpu.memory_space<vmem>> -> memref<1x1x50x32xf32, #tpu.memory_space<vmem>>
        %dma_start3A_590 = tpu.memref_squeeze %dma_start3A_589 : memref<1x1x50x32xf32, #tpu.memory_space<vmem>> -> memref<50x32xf32, #tpu.memory_space<vmem>>
        %dma_start3A_591 = arith.constant 0 : i32
        %dma_start3A_592 = tpu.memref_slice %arg5[%add3A_585, %dma_start3A_591] : memref<512x50xi32, #tpu.memory_space<vmem>> -> memref<1x50xi32, #tpu.memory_space<vmem>>
        %dma_start3A_593 = tpu.memref_squeeze %dma_start3A_592 : memref<1x50xi32, #tpu.memory_space<vmem>> -> memref<50xi32, #tpu.memory_space<vmem>>
        %dma_start3A_594 = arith.constant 0 : i32
        %dma_start3A_595 = arith.constant 0 : i32
        %dma_start3A_596 = tpu.memref_slice %arg3[%dma_start3A_594, %dma_start3A_595] : memref<1000000x32xf32, #tpu.memory_space<hbm>> -> memref<1000000x32xf32, #tpu.memory_space<hbm>>
        tpu.enqueue_indirect_dma source(%dma_start3A_596 : memref<1000000x32xf32, #tpu.memory_space<hbm>>) target(%dma_start3A_590 : memref<50x32xf32, #tpu.memory_space<vmem>>) offsets(%dma_start3A_593 : memref<50xi32, #tpu.memory_space<vmem>>) semaphore(%arg7 : memref<!tpu.dma_semaphore, #tpu.memory_space<semaphore_mem>>)
        %mul3A_597 = arith.constant 16 : i32
        %mul3A_598 = arith.muli %add3A_505, %mul3A_597 : i32
        %add3A_599 = arith.constant 6 : i32
        %add3A_600 = arith.addi %mul3A_598, %add3A_599 : i32
        %dma_start3A_601 = arith.constant 6 : i32
        %dma_start3A_602 = arith.constant 0 : i32
        %dma_start3A_603 = arith.constant 0 : i32
        %dma_start3A_604 = tpu.memref_slice %arg6[%sub3A_506, %dma_start3A_601, %dma_start3A_602, %dma_start3A_603] : memref<2x16x50x32xf32, #tpu.memory_space<vmem>> -> memref<1x1x50x32xf32, #tpu.memory_space<vmem>>
        %dma_start3A_605 = tpu.memref_squeeze %dma_start3A_604 : memref<1x1x50x32xf32, #tpu.memory_space<vmem>> -> memref<50x32xf32, #tpu.memory_space<vmem>>
        %dma_start3A_606 = arith.constant 0 : i32
        %dma_start3A_607 = tpu.memref_slice %arg5[%add3A_600, %dma_start3A_606] : memref<512x50xi32, #tpu.memory_space<vmem>> -> memref<1x50xi32, #tpu.memory_space<vmem>>
        %dma_start3A_608 = tpu.memref_squeeze %dma_start3A_607 : memref<1x50xi32, #tpu.memory_space<vmem>> -> memref<50xi32, #tpu.memory_space<vmem>>
        %dma_start3A_609 = arith.constant 0 : i32
        %dma_start3A_610 = arith.constant 0 : i32
        %dma_start3A_611 = tpu.memref_slice %arg3[%dma_start3A_609, %dma_start3A_610] : memref<1000000x32xf32, #tpu.memory_space<hbm>> -> memref<1000000x32xf32, #tpu.memory_space<hbm>>
        tpu.enqueue_indirect_dma source(%dma_start3A_611 : memref<1000000x32xf32, #tpu.memory_space<hbm>>) target(%dma_start3A_605 : memref<50x32xf32, #tpu.memory_space<vmem>>) offsets(%dma_start3A_608 : memref<50xi32, #tpu.memory_space<vmem>>) semaphore(%arg7 : memref<!tpu.dma_semaphore, #tpu.memory_space<semaphore_mem>>)
        %mul3A_612 = arith.constant 16 : i32
        %mul3A_613 = arith.muli %add3A_505, %mul3A_612 : i32
        %add3A_614 = arith.constant 7 : i32
        %add3A_615 = arith.addi %mul3A_613, %add3A_614 : i32
        %dma_start3A_616 = arith.constant 7 : i32
        %dma_start3A_617 = arith.constant 0 : i32
        %dma_start3A_618 = arith.constant 0 : i32
        %dma_start3A_619 = tpu.memref_slice %arg6[%sub3A_506, %dma_start3A_616, %dma_start3A_617, %dma_start3A_618] : memref<2x16x50x32xf32, #tpu.memory_space<vmem>> -> memref<1x1x50x32xf32, #tpu.memory_space<vmem>>
        %dma_start3A_620 = tpu.memref_squeeze %dma_start3A_619 : memref<1x1x50x32xf32, #tpu.memory_space<vmem>> -> memref<50x32xf32, #tpu.memory_space<vmem>>
        %dma_start3A_621 = arith.constant 0 : i32
        %dma_start3A_622 = tpu.memref_slice %arg5[%add3A_615, %dma_start3A_621] : memref<512x50xi32, #tpu.memory_space<vmem>> -> memref<1x50xi32, #tpu.memory_space<vmem>>
        %dma_start3A_623 = tpu.memref_squeeze %dma_start3A_622 : memref<1x50xi32, #tpu.memory_space<vmem>> -> memref<50xi32, #tpu.memory_space<vmem>>
        %dma_start3A_624 = arith.constant 0 : i32
        %dma_start3A_625 = arith.constant 0 : i32
        %dma_start3A_626 = tpu.memref_slice %arg3[%dma_start3A_624, %dma_start3A_625] : memref<1000000x32xf32, #tpu.memory_space<hbm>> -> memref<1000000x32xf32, #tpu.memory_space<hbm>>
        tpu.enqueue_indirect_dma source(%dma_start3A_626 : memref<1000000x32xf32, #tpu.memory_space<hbm>>) target(%dma_start3A_620 : memref<50x32xf32, #tpu.memory_space<vmem>>) offsets(%dma_start3A_623 : memref<50xi32, #tpu.memory_space<vmem>>) semaphore(%arg7 : memref<!tpu.dma_semaphore, #tpu.memory_space<semaphore_mem>>)
        %mul3A_627 = arith.constant 16 : i32
        %mul3A_628 = arith.muli %add3A_505, %mul3A_627 : i32
        %add3A_629 = arith.constant 8 : i32
        %add3A_630 = arith.addi %mul3A_628, %add3A_629 : i32
        %dma_start3A_631 = arith.constant 8 : i32
        %dma_start3A_632 = arith.constant 0 : i32
        %dma_start3A_633 = arith.constant 0 : i32
        %dma_start3A_634 = tpu.memref_slice %arg6[%sub3A_506, %dma_start3A_631, %dma_start3A_632, %dma_start3A_633] : memref<2x16x50x32xf32, #tpu.memory_space<vmem>> -> memref<1x1x50x32xf32, #tpu.memory_space<vmem>>
        %dma_start3A_635 = tpu.memref_squeeze %dma_start3A_634 : memref<1x1x50x32xf32, #tpu.memory_space<vmem>> -> memref<50x32xf32, #tpu.memory_space<vmem>>
        %dma_start3A_636 = arith.constant 0 : i32
        %dma_start3A_637 = tpu.memref_slice %arg5[%add3A_630, %dma_start3A_636] : memref<512x50xi32, #tpu.memory_space<vmem>> -> memref<1x50xi32, #tpu.memory_space<vmem>>
        %dma_start3A_638 = tpu.memref_squeeze %dma_start3A_637 : memref<1x50xi32, #tpu.memory_space<vmem>> -> memref<50xi32, #tpu.memory_space<vmem>>
        %dma_start3A_639 = arith.constant 0 : i32
        %dma_start3A_640 = arith.constant 0 : i32
        %dma_start3A_641 = tpu.memref_slice %arg3[%dma_start3A_639, %dma_start3A_640] : memref<1000000x32xf32, #tpu.memory_space<hbm>> -> memref<1000000x32xf32, #tpu.memory_space<hbm>>
        tpu.enqueue_indirect_dma source(%dma_start3A_641 : memref<1000000x32xf32, #tpu.memory_space<hbm>>) target(%dma_start3A_635 : memref<50x32xf32, #tpu.memory_space<vmem>>) offsets(%dma_start3A_638 : memref<50xi32, #tpu.memory_space<vmem>>) semaphore(%arg7 : memref<!tpu.dma_semaphore, #tpu.memory_space<semaphore_mem>>)
        %mul3A_642 = arith.constant 16 : i32
        %mul3A_643 = arith.muli %add3A_505, %mul3A_642 : i32
        %add3A_644 = arith.constant 9 : i32
        %add3A_645 = arith.addi %mul3A_643, %add3A_644 : i32
        %dma_start3A_646 = arith.constant 9 : i32
        %dma_start3A_647 = arith.constant 0 : i32
        %dma_start3A_648 = arith.constant 0 : i32
        %dma_start3A_649 = tpu.memref_slice %arg6[%sub3A_506, %dma_start3A_646, %dma_start3A_647, %dma_start3A_648] : memref<2x16x50x32xf32, #tpu.memory_space<vmem>> -> memref<1x1x50x32xf32, #tpu.memory_space<vmem>>
        %dma_start3A_650 = tpu.memref_squeeze %dma_start3A_649 : memref<1x1x50x32xf32, #tpu.memory_space<vmem>> -> memref<50x32xf32, #tpu.memory_space<vmem>>
        %dma_start3A_651 = arith.constant 0 : i32
        %dma_start3A_652 = tpu.memref_slice %arg5[%add3A_645, %dma_start3A_651] : memref<512x50xi32, #tpu.memory_space<vmem>> -> memref<1x50xi32, #tpu.memory_space<vmem>>
        %dma_start3A_653 = tpu.memref_squeeze %dma_start3A_652 : memref<1x50xi32, #tpu.memory_space<vmem>> -> memref<50xi32, #tpu.memory_space<vmem>>
        %dma_start3A_654 = arith.constant 0 : i32
        %dma_start3A_655 = arith.constant 0 : i32
        %dma_start3A_656 = tpu.memref_slice %arg3[%dma_start3A_654, %dma_start3A_655] : memref<1000000x32xf32, #tpu.memory_space<hbm>> -> memref<1000000x32xf32, #tpu.memory_space<hbm>>
        tpu.enqueue_indirect_dma source(%dma_start3A_656 : memref<1000000x32xf32, #tpu.memory_space<hbm>>) target(%dma_start3A_650 : memref<50x32xf32, #tpu.memory_space<vmem>>) offsets(%dma_start3A_653 : memref<50xi32, #tpu.memory_space<vmem>>) semaphore(%arg7 : memref<!tpu.dma_semaphore, #tpu.memory_space<semaphore_mem>>)
        %mul3A_657 = arith.constant 16 : i32
        %mul3A_658 = arith.muli %add3A_505, %mul3A_657 : i32
        %add3A_659 = arith.constant 10 : i32
        %add3A_660 = arith.addi %mul3A_658, %add3A_659 : i32
        %dma_start3A_661 = arith.constant 10 : i32
        %dma_start3A_662 = arith.constant 0 : i32
        %dma_start3A_663 = arith.constant 0 : i32
        %dma_start3A_664 = tpu.memref_slice %arg6[%sub3A_506, %dma_start3A_661, %dma_start3A_662, %dma_start3A_663] : memref<2x16x50x32xf32, #tpu.memory_space<vmem>> -> memref<1x1x50x32xf32, #tpu.memory_space<vmem>>
        %dma_start3A_665 = tpu.memref_squeeze %dma_start3A_664 : memref<1x1x50x32xf32, #tpu.memory_space<vmem>> -> memref<50x32xf32, #tpu.memory_space<vmem>>
        %dma_start3A_666 = arith.constant 0 : i32
        %dma_start3A_667 = tpu.memref_slice %arg5[%add3A_660, %dma_start3A_666] : memref<512x50xi32, #tpu.memory_space<vmem>> -> memref<1x50xi32, #tpu.memory_space<vmem>>
        %dma_start3A_668 = tpu.memref_squeeze %dma_start3A_667 : memref<1x50xi32, #tpu.memory_space<vmem>> -> memref<50xi32, #tpu.memory_space<vmem>>
        %dma_start3A_669 = arith.constant 0 : i32
        %dma_start3A_670 = arith.constant 0 : i32
        %dma_start3A_671 = tpu.memref_slice %arg3[%dma_start3A_669, %dma_start3A_670] : memref<1000000x32xf32, #tpu.memory_space<hbm>> -> memref<1000000x32xf32, #tpu.memory_space<hbm>>
        tpu.enqueue_indirect_dma source(%dma_start3A_671 : memref<1000000x32xf32, #tpu.memory_space<hbm>>) target(%dma_start3A_665 : memref<50x32xf32, #tpu.memory_space<vmem>>) offsets(%dma_start3A_668 : memref<50xi32, #tpu.memory_space<vmem>>) semaphore(%arg7 : memref<!tpu.dma_semaphore, #tpu.memory_space<semaphore_mem>>)
        %mul3A_672 = arith.constant 16 : i32
        %mul3A_673 = arith.muli %add3A_505, %mul3A_672 : i32
        %add3A_674 = arith.constant 11 : i32
        %add3A_675 = arith.addi %mul3A_673, %add3A_674 : i32
        %dma_start3A_676 = arith.constant 11 : i32
        %dma_start3A_677 = arith.constant 0 : i32
        %dma_start3A_678 = arith.constant 0 : i32
        %dma_start3A_679 = tpu.memref_slice %arg6[%sub3A_506, %dma_start3A_676, %dma_start3A_677, %dma_start3A_678] : memref<2x16x50x32xf32, #tpu.memory_space<vmem>> -> memref<1x1x50x32xf32, #tpu.memory_space<vmem>>
        %dma_start3A_680 = tpu.memref_squeeze %dma_start3A_679 : memref<1x1x50x32xf32, #tpu.memory_space<vmem>> -> memref<50x32xf32, #tpu.memory_space<vmem>>
        %dma_start3A_681 = arith.constant 0 : i32
        %dma_start3A_682 = tpu.memref_slice %arg5[%add3A_675, %dma_start3A_681] : memref<512x50xi32, #tpu.memory_space<vmem>> -> memref<1x50xi32, #tpu.memory_space<vmem>>
        %dma_start3A_683 = tpu.memref_squeeze %dma_start3A_682 : memref<1x50xi32, #tpu.memory_space<vmem>> -> memref<50xi32, #tpu.memory_space<vmem>>
        %dma_start3A_684 = arith.constant 0 : i32
        %dma_start3A_685 = arith.constant 0 : i32
        %dma_start3A_686 = tpu.memref_slice %arg3[%dma_start3A_684, %dma_start3A_685] : memref<1000000x32xf32, #tpu.memory_space<hbm>> -> memref<1000000x32xf32, #tpu.memory_space<hbm>>
        tpu.enqueue_indirect_dma source(%dma_start3A_686 : memref<1000000x32xf32, #tpu.memory_space<hbm>>) target(%dma_start3A_680 : memref<50x32xf32, #tpu.memory_space<vmem>>) offsets(%dma_start3A_683 : memref<50xi32, #tpu.memory_space<vmem>>) semaphore(%arg7 : memref<!tpu.dma_semaphore, #tpu.memory_space<semaphore_mem>>)
        %mul3A_687 = arith.constant 16 : i32
        %mul3A_688 = arith.muli %add3A_505, %mul3A_687 : i32
        %add3A_689 = arith.constant 12 : i32
        %add3A_690 = arith.addi %mul3A_688, %add3A_689 : i32
        %dma_start3A_691 = arith.constant 12 : i32
        %dma_start3A_692 = arith.constant 0 : i32
        %dma_start3A_693 = arith.constant 0 : i32
        %dma_start3A_694 = tpu.memref_slice %arg6[%sub3A_506, %dma_start3A_691, %dma_start3A_692, %dma_start3A_693] : memref<2x16x50x32xf32, #tpu.memory_space<vmem>> -> memref<1x1x50x32xf32, #tpu.memory_space<vmem>>
        %dma_start3A_695 = tpu.memref_squeeze %dma_start3A_694 : memref<1x1x50x32xf32, #tpu.memory_space<vmem>> -> memref<50x32xf32, #tpu.memory_space<vmem>>
        %dma_start3A_696 = arith.constant 0 : i32
        %dma_start3A_697 = tpu.memref_slice %arg5[%add3A_690, %dma_start3A_696] : memref<512x50xi32, #tpu.memory_space<vmem>> -> memref<1x50xi32, #tpu.memory_space<vmem>>
        %dma_start3A_698 = tpu.memref_squeeze %dma_start3A_697 : memref<1x50xi32, #tpu.memory_space<vmem>> -> memref<50xi32, #tpu.memory_space<vmem>>
        %dma_start3A_699 = arith.constant 0 : i32
        %dma_start3A_700 = arith.constant 0 : i32
        %dma_start3A_701 = tpu.memref_slice %arg3[%dma_start3A_699, %dma_start3A_700] : memref<1000000x32xf32, #tpu.memory_space<hbm>> -> memref<1000000x32xf32, #tpu.memory_space<hbm>>
        tpu.enqueue_indirect_dma source(%dma_start3A_701 : memref<1000000x32xf32, #tpu.memory_space<hbm>>) target(%dma_start3A_695 : memref<50x32xf32, #tpu.memory_space<vmem>>) offsets(%dma_start3A_698 : memref<50xi32, #tpu.memory_space<vmem>>) semaphore(%arg7 : memref<!tpu.dma_semaphore, #tpu.memory_space<semaphore_mem>>)
        %mul3A_702 = arith.constant 16 : i32
        %mul3A_703 = arith.muli %add3A_505, %mul3A_702 : i32
        %add3A_704 = arith.constant 13 : i32
        %add3A_705 = arith.addi %mul3A_703, %add3A_704 : i32
        %dma_start3A_706 = arith.constant 13 : i32
        %dma_start3A_707 = arith.constant 0 : i32
        %dma_start3A_708 = arith.constant 0 : i32
        %dma_start3A_709 = tpu.memref_slice %arg6[%sub3A_506, %dma_start3A_706, %dma_start3A_707, %dma_start3A_708] : memref<2x16x50x32xf32, #tpu.memory_space<vmem>> -> memref<1x1x50x32xf32, #tpu.memory_space<vmem>>
        %dma_start3A_710 = tpu.memref_squeeze %dma_start3A_709 : memref<1x1x50x32xf32, #tpu.memory_space<vmem>> -> memref<50x32xf32, #tpu.memory_space<vmem>>
        %dma_start3A_711 = arith.constant 0 : i32
        %dma_start3A_712 = tpu.memref_slice %arg5[%add3A_705, %dma_start3A_711] : memref<512x50xi32, #tpu.memory_space<vmem>> -> memref<1x50xi32, #tpu.memory_space<vmem>>
        %dma_start3A_713 = tpu.memref_squeeze %dma_start3A_712 : memref<1x50xi32, #tpu.memory_space<vmem>> -> memref<50xi32, #tpu.memory_space<vmem>>
        %dma_start3A_714 = arith.constant 0 : i32
        %dma_start3A_715 = arith.constant 0 : i32
        %dma_start3A_716 = tpu.memref_slice %arg3[%dma_start3A_714, %dma_start3A_715] : memref<1000000x32xf32, #tpu.memory_space<hbm>> -> memref<1000000x32xf32, #tpu.memory_space<hbm>>
        tpu.enqueue_indirect_dma source(%dma_start3A_716 : memref<1000000x32xf32, #tpu.memory_space<hbm>>) target(%dma_start3A_710 : memref<50x32xf32, #tpu.memory_space<vmem>>) offsets(%dma_start3A_713 : memref<50xi32, #tpu.memory_space<vmem>>) semaphore(%arg7 : memref<!tpu.dma_semaphore, #tpu.memory_space<semaphore_mem>>)
        %mul3A_717 = arith.constant 16 : i32
        %mul3A_718 = arith.muli %add3A_505, %mul3A_717 : i32
        %add3A_719 = arith.constant 14 : i32
        %add3A_720 = arith.addi %mul3A_718, %add3A_719 : i32
        %dma_start3A_721 = arith.constant 14 : i32
        %dma_start3A_722 = arith.constant 0 : i32
        %dma_start3A_723 = arith.constant 0 : i32
        %dma_start3A_724 = tpu.memref_slice %arg6[%sub3A_506, %dma_start3A_721, %dma_start3A_722, %dma_start3A_723] : memref<2x16x50x32xf32, #tpu.memory_space<vmem>> -> memref<1x1x50x32xf32, #tpu.memory_space<vmem>>
        %dma_start3A_725 = tpu.memref_squeeze %dma_start3A_724 : memref<1x1x50x32xf32, #tpu.memory_space<vmem>> -> memref<50x32xf32, #tpu.memory_space<vmem>>
        %dma_start3A_726 = arith.constant 0 : i32
        %dma_start3A_727 = tpu.memref_slice %arg5[%add3A_720, %dma_start3A_726] : memref<512x50xi32, #tpu.memory_space<vmem>> -> memref<1x50xi32, #tpu.memory_space<vmem>>
        %dma_start3A_728 = tpu.memref_squeeze %dma_start3A_727 : memref<1x50xi32, #tpu.memory_space<vmem>> -> memref<50xi32, #tpu.memory_space<vmem>>
        %dma_start3A_729 = arith.constant 0 : i32
        %dma_start3A_730 = arith.constant 0 : i32
        %dma_start3A_731 = tpu.memref_slice %arg3[%dma_start3A_729, %dma_start3A_730] : memref<1000000x32xf32, #tpu.memory_space<hbm>> -> memref<1000000x32xf32, #tpu.memory_space<hbm>>
        tpu.enqueue_indirect_dma source(%dma_start3A_731 : memref<1000000x32xf32, #tpu.memory_space<hbm>>) target(%dma_start3A_725 : memref<50x32xf32, #tpu.memory_space<vmem>>) offsets(%dma_start3A_728 : memref<50xi32, #tpu.memory_space<vmem>>) semaphore(%arg7 : memref<!tpu.dma_semaphore, #tpu.memory_space<semaphore_mem>>)
        %mul3A_732 = arith.constant 16 : i32
        %mul3A_733 = arith.muli %add3A_505, %mul3A_732 : i32
        %add3A_734 = arith.constant 15 : i32
        %add3A_735 = arith.addi %mul3A_733, %add3A_734 : i32
        %dma_start3A_736 = arith.constant 15 : i32
        %dma_start3A_737 = arith.constant 0 : i32
        %dma_start3A_738 = arith.constant 0 : i32
        %dma_start3A_739 = tpu.memref_slice %arg6[%sub3A_506, %dma_start3A_736, %dma_start3A_737, %dma_start3A_738] : memref<2x16x50x32xf32, #tpu.memory_space<vmem>> -> memref<1x1x50x32xf32, #tpu.memory_space<vmem>>
        %dma_start3A_740 = tpu.memref_squeeze %dma_start3A_739 : memref<1x1x50x32xf32, #tpu.memory_space<vmem>> -> memref<50x32xf32, #tpu.memory_space<vmem>>
        %dma_start3A_741 = arith.constant 0 : i32
        %dma_start3A_742 = tpu.memref_slice %arg5[%add3A_735, %dma_start3A_741] : memref<512x50xi32, #tpu.memory_space<vmem>> -> memref<1x50xi32, #tpu.memory_space<vmem>>
        %dma_start3A_743 = tpu.memref_squeeze %dma_start3A_742 : memref<1x50xi32, #tpu.memory_space<vmem>> -> memref<50xi32, #tpu.memory_space<vmem>>
        %dma_start3A_744 = arith.constant 0 : i32
        %dma_start3A_745 = arith.constant 0 : i32
        %dma_start3A_746 = tpu.memref_slice %arg3[%dma_start3A_744, %dma_start3A_745] : memref<1000000x32xf32, #tpu.memory_space<hbm>> -> memref<1000000x32xf32, #tpu.memory_space<hbm>>
        tpu.enqueue_indirect_dma source(%dma_start3A_746 : memref<1000000x32xf32, #tpu.memory_space<hbm>>) target(%dma_start3A_740 : memref<50x32xf32, #tpu.memory_space<vmem>>) offsets(%dma_start3A_743 : memref<50xi32, #tpu.memory_space<vmem>>) semaphore(%arg7 : memref<!tpu.dma_semaphore, #tpu.memory_space<semaphore_mem>>)
      } else {
      }
      %mul3A_485 = arith.constant 16 : i32
      %mul3A_486 = arith.muli %scan3A_234, %mul3A_485 : i32
      %add3A_487 = arith.addi %mul3A_2, %mul3A_486 : i32
      %dma_start3A_488 = arith.constant 0 : i32
      %dma_start3A_489 = arith.constant 0 : i32
      %dma_start3A_490 = arith.constant 0 : i32
      %dma_start3A_491 = tpu.memref_slice %arg6[%rem3A_236, %dma_start3A_488, %dma_start3A_489, %dma_start3A_490] : memref<2x16x50x32xf32, #tpu.memory_space<vmem>> -> memref<1x16x50x32xf32, #tpu.memory_space<vmem>>
      %dma_start3A_492 = tpu.memref_squeeze %dma_start3A_491 : memref<1x16x50x32xf32, #tpu.memory_space<vmem>> -> memref<16x50x32xf32, #tpu.memory_space<vmem>>
      %dma_start3A_493 = arith.constant 0 : i32
      %dma_start3A_494 = arith.constant 0 : i32
      %dma_start3A_495 = tpu.memref_slice %arg4[%add3A_487, %dma_start3A_493, %dma_start3A_494] : memref<16384x50x32xf32, #tpu.memory_space<hbm>> -> memref<16x50x32xf32, #tpu.memory_space<hbm>>
      %dma_start3A_496 = arith.constant 0 : i32
      %dma_start3A_497 = arith.constant 0 : i32
      %dma_start3A_498 = tpu.memref_slice %arg4[%add3A_487, %dma_start3A_496, %dma_start3A_497] : memref<16384x50x32xf32, #tpu.memory_space<hbm>> -> memref<16x50x32xf32, #tpu.memory_space<hbm>>
      %dma_start3A_499 = arith.constant 0 : i32
      %dma_start3A_500 = arith.constant 0 : i32
      %dma_start3A_501 = arith.constant 0 : i32
      %dma_start3A_502 = tpu.memref_slice %arg6[%rem3A_236, %dma_start3A_499, %dma_start3A_500, %dma_start3A_501] : memref<2x16x50x32xf32, #tpu.memory_space<vmem>> -> memref<1x16x50x32xf32, #tpu.memory_space<vmem>>
      %dma_start3A_503 = tpu.memref_squeeze %dma_start3A_502 : memref<1x16x50x32xf32, #tpu.memory_space<vmem>> -> memref<16x50x32xf32, #tpu.memory_space<vmem>>
      tpu.enqueue_dma source(%dma_start3A_503 : memref<16x50x32xf32, #tpu.memory_space<vmem>>) target(%dma_start3A_498 : memref<16x50x32xf32, #tpu.memory_space<hbm>>) target_semaphore(%arg8 : memref<!tpu.dma_semaphore, #tpu.memory_space<semaphore_mem>>)
    }
    %scan3A_214 = arith.constant 32 : i32
    %rem3A = arith.constant 31 : i32
    %rem3A_215 = arith.constant 2 : i32
    %rem3A_216 = arith.remsi %rem3A, %rem3A_215 : i32
    %add3A_217 = arith.constant 496 : i32
    %add3A_218 = arith.addi %mul3A_2, %add3A_217 : i32
    %dma_wait3A = arith.constant 0 : i32
    %dma_wait3A_219 = arith.constant 0 : i32
    %dma_wait3A_220 = arith.constant 0 : i32
    %dma_wait3A_221 = tpu.memref_slice %arg6[%rem3A_216, %dma_wait3A, %dma_wait3A_219, %dma_wait3A_220] : memref<2x16x50x32xf32, #tpu.memory_space<vmem>> -> memref<1x16x50x32xf32, #tpu.memory_space<vmem>>
    %dma_wait3A_222 = tpu.memref_squeeze %dma_wait3A_221 : memref<1x16x50x32xf32, #tpu.memory_space<vmem>> -> memref<16x50x32xf32, #tpu.memory_space<vmem>>
    %dma_wait3A_223 = arith.constant 0 : i32
    %dma_wait3A_224 = arith.constant 0 : i32
    %dma_wait3A_225 = tpu.memref_slice %arg4[%add3A_218, %dma_wait3A_223, %dma_wait3A_224] : memref<16384x50x32xf32, #tpu.memory_space<hbm>> -> memref<16x50x32xf32, #tpu.memory_space<hbm>>
    %dma_wait3A_226 = arith.constant 0 : i32
    %dma_wait3A_227 = arith.constant 0 : i32
    %dma_wait3A_228 = tpu.memref_slice %arg4[%add3A_218, %dma_wait3A_226, %dma_wait3A_227] : memref<16384x50x32xf32, #tpu.memory_space<hbm>> -> memref<16x50x32xf32, #tpu.memory_space<hbm>>
    %dma_wait3A_229 = arith.constant 0 : i32
    %dma_wait3A_230 = arith.constant 0 : i32
    %dma_wait3A_231 = arith.constant 0 : i32
    %dma_wait3A_232 = tpu.memref_slice %arg6[%rem3A_216, %dma_wait3A_229, %dma_wait3A_230, %dma_wait3A_231] : memref<2x16x50x32xf32, #tpu.memory_space<vmem>> -> memref<1x16x50x32xf32, #tpu.memory_space<vmem>>
    %dma_wait3A_233 = tpu.memref_squeeze %dma_wait3A_232 : memref<1x16x50x32xf32, #tpu.memory_space<vmem>> -> memref<16x50x32xf32, #tpu.memory_space<vmem>>
    tpu.wait_dma2 semaphore(%arg8 : memref<!tpu.dma_semaphore, #tpu.memory_space<semaphore_mem>>) src(%dma_wait3A_233 : memref<16x50x32xf32, #tpu.memory_space<vmem>>) dst(%dma_wait3A_228 : memref<16x50x32xf32, #tpu.memory_space<hbm>>)
    return
  }
}

</mosaic_0001>

<sc_bundles>
// kernel: kernel.3.cloned.1.call-start
scs
__scs_entry_jumppad:
0x0: {  	(pc) =	sbr.rel $0x88, $3  }
0x1: {  	(tag) =	ssettag $0x0;
	lr =	simm.s32 $0x1  }
0x2: {  	[smem:$0x3F9F] =	sst lr;
	_ =	strace $0xD0000000  }
0x3: {  	_ = 	snop  }
0x4: {  	_ = 	snop  }
0x5: {  	_ = 	snop  }
0x6: {  	_ = 	snop  }
0x7: {  	_ = 	snop  }
__scs_overlays_trampoline_lowered:
0x8: {  	[smem:$0x3FAE] =	sst s0  }
0x9: {  	[smem:$0x3FAF] =	sst s1  }
0xa: {  	[smem:$0x3FB0] =	sst s2  }
0xb: {  	[smem:$0x3FB1] =	sst s3  }
0xc: {  	[smem:$0x3FB2] =	sst s4  }
0xd: {  	[smem:$0x3FB3] =	sst s5  }
0xe: {  	[smem:$0x3FB4] =	sst s6  }
0xf: {  	[smem:$0x3FB5] =	sst s7  }
0x10: {  	[smem:$0x3FB6] =	sst s8  }
0x11: {  	[smem:$0x3FB7] =	sst s9;
	s0 =	simm.s32 @!p0 $0x0  }
0x12: {  	s1 =	sld [smem:$0x3F9D];
	s0 =	simm.s32 @p0 $0x1  }
0x13: {  	[smem:$0x3FB8] =	sst s0;
	s0 =	simm.s32 @!p1 $0x0  }
0x14: {  	s2 =	sld [smem:$0x3F9C];
	s0 =	simm.s32 @p1 $0x1  }
0x15: {  	[smem:$0x3FB9] =	sst s0;
	s0 =	simm.s32 @!p2 $0x0  }
0x16: {  	s3 =	sld [smem:$0x3FDB];
	s0 =	simm.s32 @p2 $0x1  }
0x17: {  	s4 =	simm.s32 $0x1BF5;
	[smem:$0x3FBB] =	sst s0  }
0x18: {  	s0 =	sld [smem:$0x3F9E];
	_ =	swait.ge [sflag:s4], $0x0  }
0x19: {  	s7 =	sld [smem:$0x3F9F]  }
0x1a: {  	s8 =	sadd.s32 $0xFFFFE003, lr  }
0x1b: {  	s9 =	sadd.s32 $0xFFFFFEF7, lr;
	s5 =	simm.s32 $0xFFFFFFFF;
	p2 =	slt.u32 s8, $0xFFFFF086  }
0x1c: {  	p1 =	slt.u32 s9, $0xF7A;
	s5 =	simm.s32 @!p2 $0x0  }
0x1d: {  	s5 =	simm.s32 @p1 $0x1;
	p0 =	seq.s32 s7, s2  }
0x1e: {  	s7 =	smul.u32 @!p0 $0xF7A, s2;
	p2 =	seq.s32 @!p0 s5, $0x0  }
0x1f: {  	s9 =	smul.u32 $0xF7A, s1;
	s8 =	simm.s32 @!p0 $0x1BF5;
	p2 =	por !p2, p0  }
0x20: {  	[sflag:s8] =	ssyncset.s32 @!p0 $0xFFFFF086;
	s6 =	sadd.s32 @!p0 s3, s7;
	s7 =	simm.s32 @!p0 $0x108  }
0x21: {  	s3 =	sadd.s32 s3, s9;
	s6 =	sadd.s32 @!p0 $0x88, s6;
	s7 =	simm.s32 @p2 $0x1082  }
0x22: {  	[simem:s7], [sflag:s8] =	dma.local @!p0 [hbm:s6], $0xF7A  }
0x23: {  	s9 =	sor.u32 $0xD0000000, s2;
	s6 =	simm.s32 $0x108;
	_ =	swait.ge @!p0 [sflag:s8], $0x0  }
0x24: {  	s3 =	sadd.s32 $0x88, s3;
	s6 =	simm.s32 @!p1 $0x1082;
	[sflag:s4] =	ssyncset.s32 $0xFFFFF086  }
0x25: {  	[simem:s6], [sflag:s4] =	dma.local [hbm:s3], $0xF7A  }
0x26: {  	[smem:$0x3F9F] =	sst s1;
	(tag) =	ssettag s2;
	_ =	strace s9  }
0x27: {  	s1 =	sld [smem:$0x3FAF]  }
0x28: {  	s2 =	sld [smem:$0x3FB0]  }
0x29: {  	s4 =	sld [smem:$0x3FB2]  }
0x2a: {  	p0 =	seq.s32 s5, $0x0;
	s5 =	sld [smem:$0x3FB3]  }
0x2b: {  	s6 =	sld [smem:$0x3FB4]  }
0x2c: {  	s7 =	sld [smem:$0x3FB5]  }
0x2d: {  	s3 =	simm.s32 $0x108;
	s8 =	sld [smem:$0x3FB6]  }
0x2e: {  	s3 =	simm.s32 @!p0 $0x1082;
	s9 =	sld [smem:$0x3FB7]  }
0x2f: {  	lr =	sadd.s32 s0, s3;
	s0 =	sld [smem:$0x3FAE]  }
0x30: {  	s3 =	sld [smem:$0x3FB1]  }
0x31: {  	[smem:$0x3FBA] =	sst s10  }
0x32: {  	s10 =	sld [smem:$0x3FB8];
	_ =	sdelay $0x3  }
0x33: {  	p0 =	seq.s32 s10, $0x1;
	s10 =	sld [smem:$0x3FBA];
	_ =	sdelay $0x3  }
0x34: {  	[smem:$0x3FBA] =	sst s10  }
0x35: {  	s10 =	sld [smem:$0x3FB9];
	_ =	sdelay $0x3  }
0x36: {  	p1 =	seq.s32 s10, $0x1;
	s10 =	sld [smem:$0x3FBA];
	_ =	sdelay $0x3  }
0x37: {  	[smem:$0x3FBA] =	sst s10  }
0x38: {  	s10 =	sld [smem:$0x3FBB]  }
0x39: {  	_ = 	snop;
	(pc) =	sbr.ind lr, $3  }
0x3a: {  	_ = 	snop  }
0x3b: {  	_ = 	snop  }
0x3c: {  	p2 =	seq.s32 s10, $0x1;
	s10 =	sld [smem:$0x3FBA]  }
0x3d: {  	_ =	shalt  }
0x3e: {  	_ =	shalt  }
0x3f: {  	_ =	shalt  }
0x40: {  	_ =	shalt  }
0x41: {  	_ =	shalt  }
0x42: {  	_ =	shalt  }
0x43: {  	_ =	shalt  }
0x44: {  	_ =	shalt  }
0x45: {  	_ =	shalt  }
0x46: {  	_ =	shalt  }
0x47: {  	_ =	shalt  }
0x48: {  	_ =	shalt  }
0x49: {  	_ =	shalt  }
0x4a: {  	_ =	shalt  }
0x4b: {  	_ =	shalt  }
0x4c: {  	_ =	shalt  }
0x4d: {  	_ =	shalt  }
0x4e: {  	_ =	shalt  }
0x4f: {  	_ =	shalt  }
0x50: {  	_ =	shalt  }
0x51: {  	_ =	shalt  }
0x52: {  	_ =	shalt  }
0x53: {  	_ =	shalt  }
0x54: {  	_ =	shalt  }
0x55: {  	_ =	shalt  }
0x56: {  	_ =	shalt  }
0x57: {  	_ =	shalt  }
0x58: {  	_ =	shalt  }
0x59: {  	_ =	shalt  }
0x5a: {  	_ =	shalt  }
0x5b: {  	_ =	shalt  }
0x5c: {  	_ =	shalt  }
0x5d: {  	_ =	shalt  }
0x5e: {  	_ =	shalt  }
0x5f: {  	_ =	shalt  }
0x60: {  	_ =	shalt  }
0x61: {  	_ =	shalt  }
0x62: {  	_ =	shalt  }
0x63: {  	_ =	shalt  }
0x64: {  	_ =	shalt  }
0x65: {  	_ =	shalt  }
0x66: {  	_ =	shalt  }
0x67: {  	_ =	shalt  }
0x68: {  	_ =	shalt  }
0x69: {  	_ =	shalt  }
0x6a: {  	_ =	shalt  }
0x6b: {  	_ =	shalt  }
0x6c: {  	_ =	shalt  }
0x6d: {  	_ =	shalt  }
0x6e: {  	_ =	shalt  }
0x6f: {  	_ =	shalt  }
0x70: {  	_ =	shalt  }
0x71: {  	_ =	shalt  }
0x72: {  	_ =	shalt  }
0x73: {  	_ =	shalt  }
0x74: {  	_ =	shalt  }
0x75: {  	_ =	shalt  }
0x76: {  	_ =	shalt  }
0x77: {  	_ =	shalt  }
0x78: {  	_ =	shalt  }
0x79: {  	_ =	shalt  }
0x7a: {  	_ =	shalt  }
0x7b: {  	_ =	shalt  }
0x7c: {  	_ =	shalt  }
0x7d: {  	_ =	shalt  }
0x7e: {  	_ =	shalt  }
0x7f: {  	_ =	shalt  }
0x80: {  	_ =	shalt  }
0x81: {  	_ =	shalt  }
0x82: {  	_ =	shalt  }
0x83: {  	_ =	shalt  }
0x84: {  	_ =	shalt  }
0x85: {  	_ =	shalt  }
0x86: {  	_ =	shalt  }
0x87: {  	_ =	shalt  }
.Lfunc_end0:
.L_simem_size_0:
called_computation.1_lowered:
.L_overlay_start_0:
0x88: {  	s2 =	sld [smem:$0x3FD9]  }
0x89: {  	s3 =	sld [smem:$0x3FFE];
	_ =	sdelay $0x1  }
0x8a: {  	s1 =	srdreg.scid  }
0x8b: {  	s0 =	sand.u32 $0x1, s1  }
0x8c: {  	s17 =	sshll.u32 s0, $0xA;
	s2 =	sadd.s32 s3, s2  }
0x8d: {  	s2 =	sadd.s32 s2, s17  }
0x8e: {  	[smem:$0x3FC6] =	sst s2  }
0x8f: {  	_ = 	snop  }
0x90: {  	s2 =	sld [smem:$0x3FD0];
	(tm) =	ssettm $0x1  }
0x91: {  	s18 =	sld [smem:$0x3FFB];
	_ =	sdelay $0x3  }
0x92: {  	_ =	strace s18  }
0x93: {  	s3 =	sld [smem:$0x3FFC];
	_ =	sdelay $0x3  }
0x94: {  	_ =	strace s3  }
0x95: {  	s3 =	sld [smem:$0x3FFD];
	_ =	sdelay $0x3  }
0x96: {  	_ =	strace s3  }
0x97: {  	_ =	strace $0x8FFFFFFF  }
0x98: {  	s19 =	sld [smem:$0x3FDB];
	_ =	sdelay $0x1  }
0x99: {  	s4 =	simm.s32 $_scs_section_size  }
0x9a: {  	s5 =	simm.s32 $_size__tile_overlayer_lowered;
	s6 =	simm.s32 $_tile_overlayer_lowered  }
0x9b: {  	s22 =	simm.s32 $0x1BFF;
	s21 =	sshll.u32 s6, $0x1;
	s3 =	sadd.s32 s4, s19  }
0x9c: {  	s7 =	simm.s32 $0x0;
	s20 =	sshll.u32 s5, $0x1;
	s5 =	sadd.s32 s21, s3  }
0x9d: {  	[timem:s7], [sflag:s22] =	dma.local [hbm:s5], s20  }
0x9e: {  	_ =	swait.ge [sflag:s22], s20  }
0x9f: {  	s4 =	ssub.s32 $0x0, s20;
	[sflag:s22] =	ssyncset.done $0x0  }
0xa0: {  	[sflag:s22] =	ssyncadd.s32 s4;
	_ =	sdelay $0x1  }
0xa1: {  	s23 =	simm.s32 $0x1B8B  }
0xa2: {  	_ =	swait.ge [sflag:s23], $0x1  }
0xa3: {  	[sflag:s23] =	ssyncset.done $0x0  }
0xa4: {  	s25 =	simm.s32 $0x1B8E;
	s24 =	sld [smem:$0x3FFE];
	[sflag:s23] =	ssyncadd.s32 $0xFFFFFFFF  }
0xa5: {  	s26 =	simm.s32 $execute0_lowered;
	[smem:$0x3FD2] =	sst s25  }
0xa6: {  	s5 =	sshll.u32 s26, $0x1;
	_ =	strace $0x80000046;
	[dreg:$0x1] =	wrdreg $0xFFFFFFFF  }
0xa7: {  	s28 =	simm.s32 $_size_execute0_lowered;
	s3 =	sadd.s32 s3, s5;
	[dreg:$0x0] =	wrdreg $0x0  }
0xa8: {  	s5 =	sshll.u32 s28, $0x1;
	[dreg:$0x2] =	wrdreg s3  }
0xa9: {  	[dreg:$0x3] =	wrdreg s5  }
0xaa: {  	[dreg:$0x4] =	wrdreg $0xC0  }
0xab: {  	_ =	task [dreg:s7], $0x5FFFF  }
0xac: {  	[dreg:$0x1] =	wrdreg $0xFFFFFFFF  }
0xad: {  	[dreg:$0x0] =	wrdreg $0x60  }
0xae: {  	[dreg:$0x2] =	wrdreg s24  }
0xaf: {  	[dreg:$0x3] =	wrdreg s2  }
0xb0: {  	[dreg:$0x4] =	wrdreg $0x9  }
0xb1: {  	_ =	task.clear_ibuf [dreg:s7], $0x5FFFF;
	_ =	strace $0x90000046  }
0xb2: {  	s29 =	simm.s32 $0x9;
	_ =	strace $0x80000048  }
0xb3: {  	_ =	swait.ge [sflag:s29], $0x1  }
0xb4: {  	[sflag:s29] =	ssyncadd.s32 $0xFFFFFFFF  }
0xb5: {  	_ =	strace $0x90000048  }
0xb6: {  	_ =	sfence  }
0xb7: {  	s30 =	sld [smem:$0x0];
	_ =	sdelay $0x2  }
0xb8: {  	s31 =	sshll.u32 s1, $0xD;
	s1 =	sshrl.u32 s1, $0x2  }
0xb9: {  	s3 =	sand.u32 $0x4000, s31;
	s1 =	sadd.s32 s1, s30  }
0xba: {  	s0 =	sor.u32 s3, s0;
	s1 =	sshll.u32 s1, $0x11  }
0xbb: {  	s0 =	sor.u32 s1, s0  }
0xbc: {  	s0 =	sadd.s32 $0x8F2B, s0  }
0xbd: {  	[sflag:s0] =	ssyncadd.remote.s32 $0x1  }
0xbe: {  	_ =	sfence.sel $0xFFFF  }
0xbf: {  	[dreg:$0x0] =	wrdreg $0xFFFFFFFF;
	(pc) =	sbr.abs _section_cstart, $3  }
0xc0: {  	[dreg:$0x1] =	wrdreg $0xFFFFFFFF  }
0xc1: {  	_ =	task.clear_ibuf [dreg:s7], $0x2FFFF;
	_ =	strace $0x9FFFFFFF  }
0xc2: {  	(tm) =	ssettm $0x7FFFFFFF  }
0xc3: {  	_ =	shalt  }
tec
execute0_lowered:
.L_overlay_start_1:
0x0: {  	(tag) =	ssettag $0x1  }
0x1: {  	s0 =	srdreg.scid;
	s1 =	rddreg [dreg:$0x0]  }
0x2: {  	s3 =	stileid.u32;
	s2 =	rddreg [dreg:$0x1];
	s8 =	simm.s32 $0x3  }
0x3: {  	s9 =	simm.s32 $0x32;
	s29 =	simm.s32 $0xA840;
	s30 =	simm.s32 $0x230  }
0x4: {  	s31 =	simm.s32 $0xAE80;
	s10 =	simm.s32 $0x2A0;
	s11 =	simm.s32 $0xBB00  }
0x5: {  	s12 =	simm.s32 $0x2D8;
	s13 =	simm.s32 $0xC140;
	s14 =	simm.s32 $0x310  }
0x6: {  	s15 =	simm.s32 $0xC780;
	s16 =	simm.s32 $0x348;
	s17 =	simm.s32 $0xCDC0  }
0x7: {  	s18 =	simm.s32 $0x1;
	s19 =	simm.s32 $0x2;
	s0 =	sand.u32 $0x1, s0  }
0x8: {  	s3 =	sshll.u32 s3, $0xA;
	s4 =	sshll.u32 s0, $0x9;
	s0 =	ssub.s32 $0x2, s0  }
.Ltmp0:
0x9: {  	s3 =	sor.u32 s4, s3;
	s4 =	simm.s32 $0x0;
	(pc) =	sbr.rel .LBB2_1-.Ltmp0, $4  }
0xa: {  	s6 =	sshrl.u32 s0, $0x1;
	s5 =	smul.u32 $0x7, s3;
	[smem:$0x7FF] =	sst s4  }
0xb: {  	s20 =	simm.s32 $0x0;
	s0 =	ssub.s32 s0, s6;
	_ =	strace $0x80000047  }
0xc: {  	s7 =	sadd.s32 s5, s1;
	s5 =	sadd.s32 $0xF42E00, s1;
	s1 =	simm.s32 $0x268  }
0xd: {  	s6 =	sadd.s32 $0xA00, s7;
	s7 =	smax.u32 s0, $0x1;
	s0 =	simm.s32 $0xB4C0  }
.LBB2_5:
0xe: {  	s20 =	sadd.s32 $0x1, s20  }
0xf: {  	p0 =	sne.s32 s20, s7  }
.Ltmp1:
0x10: {  	_ = 	snop;
	(pc) =	sbr.rel @!p0 .LBB2_6-.Ltmp1, $4  }
0x11: {  	_ = 	snop  }
0x12: {  	_ =	swait.ge [sflag:s19], $0x6400  }
0x13: {  	[sflag:s19] =	ssyncset.done $0x0  }
0x14: {  	[sflag:s19] =	ssyncadd.s32 $0xFFFF9C00  }
.LBB2_1:
0x15: {  	[tilespmem:s4], [sflag:$0x3] =	stream.linear.gather [hbm4b:s6+s4], $0x7000, $0x38;
	[tilespmem:$0x13800] =	vst v63  }
0x16: {  	_ =	swait.ge [sflag:s8], $0x7000  }
0x17: {  	[sflag:s8] =	ssyncset.done $0x0  }
0x18: {  	s21 =	simm.s32 $0x7000;
	[sflag:s8] =	ssyncadd.s32 $0xFFFF9000  }
0x19: {  	[tilespmem:s21], [sflag:$0x1] =	stream.indirect.gather [hbm4b:s5+s9], $0x20, s4, s9, $0xb8;
	[tilespmem:$0x13800] =	vst v63  }
0x1a: {  	s23 =	simm.s32 $0x38;
	s22 =	simm.s32 $0x7640  }
0x1b: {  	[tilespmem:s22], [sflag:$0x1] =	stream.indirect.gather [hbm4b:s5+s9], $0x20, s23, s9, $0xb8;
	[tilespmem:$0x13800] =	vst v63  }
0x1c: {  	s24 =	simm.s32 $0x70;
	s25 =	simm.s32 $0x7C80  }
0x1d: {  	[tilespmem:s25], [sflag:$0x1] =	stream.indirect.gather [hbm4b:s5+s9], $0x20, s24, s9, $0xb8;
	[tilespmem:$0x13800] =	vst v63  }
0x1e: {  	s26 =	simm.s32 $0xA8;
	s28 =	simm.s32 $0x82C0  }
0x1f: {  	[tilespmem:s28], [sflag:$0x1] =	stream.indirect.gather [hbm4b:s5+s9], $0x20, s26, s9, $0xb8;
	[tilespmem:$0x13800] =	vst v63  }
0x20: {  	s22 =	simm.s32 $0xE0;
	s23 =	simm.s32 $0x8900  }
0x21: {  	[tilespmem:s23], [sflag:$0x1] =	stream.indirect.gather [hbm4b:s5+s9], $0x20, s22, s9, $0xb8;
	[tilespmem:$0x13800] =	vst v63  }
0x22: {  	s24 =	simm.s32 $0x118;
	s25 =	simm.s32 $0x8F40  }
0x23: {  	[tilespmem:s25], [sflag:$0x1] =	stream.indirect.gather [hbm4b:s5+s9], $0x20, s24, s9, $0xb8;
	[tilespmem:$0x13800] =	vst v63  }
0x24: {  	s26 =	simm.s32 $0x150;
	s28 =	simm.s32 $0x9580  }
0x25: {  	[tilespmem:s28], [sflag:$0x1] =	stream.indirect.gather [hbm4b:s5+s9], $0x20, s26, s9, $0xb8;
	[tilespmem:$0x13800] =	vst v63  }
0x26: {  	s23 =	simm.s32 $0x188;
	s24 =	simm.s32 $0x9BC0  }
0x27: {  	[tilespmem:s24], [sflag:$0x1] =	stream.indirect.gather [hbm4b:s5+s9], $0x20, s23, s9, $0xb8;
	[tilespmem:$0x13800] =	vst v63  }
0x28: {  	s25 =	simm.s32 $0x1C0;
	s26 =	simm.s32 $0xA200  }
0x29: {  	[tilespmem:s26], [sflag:$0x1] =	stream.indirect.gather [hbm4b:s5+s9], $0x20, s25, s9, $0xb8;
	[tilespmem:$0x13800] =	vst v63  }
0x2a: {  	s28 =	simm.s32 $0x1F8  }
0x2b: {  	[tilespmem:s29], [sflag:$0x1] =	stream.indirect.gather [hbm4b:s5+s9], $0x20, s28, s9, $0xb8;
	[tilespmem:$0x13800] =	vst v63  }
0x2c: {  	_ = 	snop  }
0x2d: {  	[tilespmem:s31], [sflag:$0x1] =	stream.indirect.gather [hbm4b:s5+s9], $0x20, s30, s9, $0xb8;
	[tilespmem:$0x13800] =	vst v63  }
0x2e: {  	_ = 	snop  }
0x2f: {  	[tilespmem:s0], [sflag:$0x1] =	stream.indirect.gather [hbm4b:s5+s9], $0x20, s1, s9, $0xb8;
	[tilespmem:$0x13800] =	vst v63  }
0x30: {  	_ = 	snop  }
0x31: {  	[tilespmem:s11], [sflag:$0x1] =	stream.indirect.gather [hbm4b:s5+s9], $0x20, s10, s9, $0xb8;
	[tilespmem:$0x13800] =	vst v63  }
0x32: {  	_ = 	snop  }
0x33: {  	[tilespmem:s13], [sflag:$0x1] =	stream.indirect.gather [hbm4b:s5+s9], $0x20, s12, s9, $0xb8;
	[tilespmem:$0x13800] =	vst v63  }
.Ltmp2:
0x34: {  	_ = 	snop;
	(pc) =	sbr.rel .LBB2_2-.Ltmp2, $4  }
0x35: {  	_ = 	snop  }
0x36: {  	[tilespmem:s15], [sflag:$0x1] =	stream.indirect.gather [hbm4b:s5+s9], $0x20, s14, s9, $0xb8;
	[tilespmem:$0x13800] =	vst v63  }
0x37: {  	s22 =	simm.s32 $0x0  }
0x38: {  	[tilespmem:s17], [sflag:$0x1] =	stream.indirect.gather [hbm4b:s5+s9], $0x20, s16, s9, $0xb8;
	[tilespmem:$0x13800] =	vst v63  }
.LBB2_4:
0x39: {  	s22 =	sshll.u32 s22, $0x4  }
0x3a: {  	s23 =	smul.u32 $0x19000, s23;
	s22 =	sor.u32 s3, s22  }
0x3b: {  	p0 =	slt.u32 s21, $0x20;
	s22 =	smul.u32 $0xC8, s22  }
.Ltmp3:
0x3c: {  	_ = 	snop;
	(pc) =	sbr.rel @!p0 .LBB2_5-.Ltmp3, $4  }
0x3d: {  	s23 =	sshrl.u32 s23, $0x2  }
0x3e: {  	s23 =	sadd.s32 $0x7000, s23;
	s22 =	sadd.s32 s2, s22  }
0x3f: {  	[hbm4b:s22+s4] =	stream.linear.scatter [tilespmem:s23], [sflag:$0x2], $0x6400, $0x38;
	[tilespmem:$0x13800] =	vst v63  }
0x40: {  	s22 =	smov.u32 s21  }
.LBB2_2:
0x41: {  	_ =	swait.ge [sflag:s18], $0x640  }
0x42: {  	[sflag:s18] =	ssyncset.done $0x0  }
0x43: {  	[sflag:s18] =	ssyncadd.s32 $0xFFFFF9C0  }
0x44: {  	_ =	swait.ge [sflag:s18], $0x640  }
0x45: {  	[sflag:s18] =	ssyncset.done $0x0  }
0x46: {  	[sflag:s18] =	ssyncadd.s32 $0xFFFFF9C0  }
0x47: {  	_ =	swait.ge [sflag:s18], $0x640  }
0x48: {  	[sflag:s18] =	ssyncset.done $0x0  }
0x49: {  	[sflag:s18] =	ssyncadd.s32 $0xFFFFF9C0  }
0x4a: {  	_ =	swait.ge [sflag:s18], $0x640  }
0x4b: {  	[sflag:s18] =	ssyncset.done $0x0  }
0x4c: {  	[sflag:s18] =	ssyncadd.s32 $0xFFFFF9C0  }
0x4d: {  	_ =	swait.ge [sflag:s18], $0x640  }
0x4e: {  	[sflag:s18] =	ssyncset.done $0x0  }
0x4f: {  	[sflag:s18] =	ssyncadd.s32 $0xFFFFF9C0  }
0x50: {  	_ =	swait.ge [sflag:s18], $0x640  }
0x51: {  	[sflag:s18] =	ssyncset.done $0x0  }
0x52: {  	[sflag:s18] =	ssyncadd.s32 $0xFFFFF9C0  }
0x53: {  	_ =	swait.ge [sflag:s18], $0x640  }
0x54: {  	[sflag:s18] =	ssyncset.done $0x0  }
0x55: {  	[sflag:s18] =	ssyncadd.s32 $0xFFFFF9C0  }
0x56: {  	_ =	swait.ge [sflag:s18], $0x640  }
0x57: {  	[sflag:s18] =	ssyncset.done $0x0  }
0x58: {  	[sflag:s18] =	ssyncadd.s32 $0xFFFFF9C0  }
0x59: {  	_ =	swait.ge [sflag:s18], $0x640  }
0x5a: {  	[sflag:s18] =	ssyncset.done $0x0  }
0x5b: {  	[sflag:s18] =	ssyncadd.s32 $0xFFFFF9C0  }
0x5c: {  	_ =	swait.ge [sflag:s18], $0x640  }
0x5d: {  	[sflag:s18] =	ssyncset.done $0x0  }
0x5e: {  	[sflag:s18] =	ssyncadd.s32 $0xFFFFF9C0  }
0x5f: {  	_ =	swait.ge [sflag:s18], $0x640  }
0x60: {  	[sflag:s18] =	ssyncset.done $0x0  }
0x61: {  	[sflag:s18] =	ssyncadd.s32 $0xFFFFF9C0  }
0x62: {  	_ =	swait.ge [sflag:s18], $0x640  }
0x63: {  	[sflag:s18] =	ssyncset.done $0x0  }
0x64: {  	[sflag:s18] =	ssyncadd.s32 $0xFFFFF9C0  }
0x65: {  	_ =	swait.ge [sflag:s18], $0x640  }
0x66: {  	[sflag:s18] =	ssyncset.done $0x0  }
0x67: {  	[sflag:s18] =	ssyncadd.s32 $0xFFFFF9C0  }
0x68: {  	_ =	swait.ge [sflag:s18], $0x640  }
0x69: {  	[sflag:s18] =	ssyncset.done $0x0  }
0x6a: {  	[sflag:s18] =	ssyncadd.s32 $0xFFFFF9C0  }
0x6b: {  	_ =	swait.ge [sflag:s18], $0x640  }
0x6c: {  	p0 =	seq.s32 s22, $0x0;
	[sflag:s18] =	ssyncset.done $0x0  }
0x6d: {  	p1 =	seq.s32 @!p0 s22, $0x1F;
	[sflag:s18] =	ssyncadd.s32 $0xFFFFF9C0  }
0x6e: {  	p1 =	por p0, !p1;
	_ =	swait.ge [sflag:s18], $0x640  }
.Ltmp4:
0x6f: {  	[sflag:s18] =	ssyncset.done $0x0;
	(pc) =	sbr.rel @!p1 .LBB2_4-.Ltmp4, $4  }
0x70: {  	s21 =	simm.s32 @!p0 $0x2;
	[sflag:s18] =	ssyncadd.s32 $0xFFFFF9C0  }
0x71: {  	_ =	swait.ge @!p0 [sflag:s21], $0x6400  }
0x72: {  	[sflag:s21] =	ssyncset.done @!p0 $0x0  }
0x73: {  	s23 =	sand.u32 $0x1, s22;
	[sflag:s21] =	ssyncadd.s32 @!p0 $0xFFFF9C00;
	s21 =	simm.s32 @!p0 $0x20  }
0x74: {  	s21 =	sadd.s32 @!p0 $0x1, s22;
	s24 =	sxor.u32 $0x1, s23  }
0x75: {  	s21 =	simm.s32 @p0 $0x1;
	s24 =	smul.u32 $0x19000, s24  }
0x76: {  	s25 =	smul.u32 $0xE00, s21  }
0x77: {  	s24 =	sshrl.u32 s24, $0x2  }
0x78: {  	s26 =	sadd.s32 $0x7000, s24;
	s25 =	sshra.s32 s25, $0x2  }
0x79: {  	[tilespmem:s26], [sflag:$0x1] =	stream.indirect.gather [hbm4b:s5+s9], $0x20, s25, s9, $0xb8;
	[tilespmem:$0x13800] =	vst v63  }
0x7a: {  	s26 =	sadd.s32 $0x7640, s24;
	s28 =	sor.u32 $0x38, s25  }
0x7b: {  	[tilespmem:s26], [sflag:$0x1] =	stream.indirect.gather [hbm4b:s5+s9], $0x20, s28, s9, $0xb8;
	[tilespmem:$0x13800] =	vst v63  }
0x7c: {  	s26 =	sadd.s32 $0x7C80, s24;
	s28 =	sor.u32 $0x70, s25  }
0x7d: {  	[tilespmem:s26], [sflag:$0x1] =	stream.indirect.gather [hbm4b:s5+s9], $0x20, s28, s9, $0xb8;
	[tilespmem:$0x13800] =	vst v63  }
0x7e: {  	s26 =	sor.u32 $0x82C0, s24;
	s28 =	sadd.s32 $0xA8, s25  }
0x7f: {  	[tilespmem:s26], [sflag:$0x1] =	stream.indirect.gather [hbm4b:s5+s9], $0x20, s28, s9, $0xb8;
	[tilespmem:$0x13800] =	vst v63  }
0x80: {  	s26 =	sadd.s32 $0x8900, s24;
	s28 =	sadd.s32 $0xE0, s25  }
0x81: {  	[tilespmem:s26], [sflag:$0x1] =	stream.indirect.gather [hbm4b:s5+s9], $0x20, s28, s9, $0xb8;
	[tilespmem:$0x13800] =	vst v63  }
0x82: {  	s26 =	sadd.s32 $0x8F40, s24;
	s28 =	sadd.s32 $0x118, s25  }
0x83: {  	[tilespmem:s26], [sflag:$0x1] =	stream.indirect.gather [hbm4b:s5+s9], $0x20, s28, s9, $0xb8;
	[tilespmem:$0x13800] =	vst v63  }
0x84: {  	s26 =	sadd.s32 $0x9580, s24;
	s28 =	sadd.s32 $0x150, s25  }
0x85: {  	[tilespmem:s26], [sflag:$0x1] =	stream.indirect.gather [hbm4b:s5+s9], $0x20, s28, s9, $0xb8;
	[tilespmem:$0x13800] =	vst v63  }
0x86: {  	s26 =	sadd.s32 $0x9BC0, s24;
	s28 =	sadd.s32 $0x188, s25  }
0x87: {  	[tilespmem:s26], [sflag:$0x1] =	stream.indirect.gather [hbm4b:s5+s9], $0x20, s28, s9, $0xb8;
	[tilespmem:$0x13800] =	vst v63  }
0x88: {  	s26 =	sadd.s32 $0xA200, s24;
	s28 =	sadd.s32 $0x1C0, s25  }
0x89: {  	[tilespmem:s26], [sflag:$0x1] =	stream.indirect.gather [hbm4b:s5+s9], $0x20, s28, s9, $0xb8;
	[tilespmem:$0x13800] =	vst v63  }
0x8a: {  	s26 =	sadd.s32 $0xA840, s24;
	s28 =	sadd.s32 $0x1F8, s25  }
0x8b: {  	[tilespmem:s26], [sflag:$0x1] =	stream.indirect.gather [hbm4b:s5+s9], $0x20, s28, s9, $0xb8;
	[tilespmem:$0x13800] =	vst v63  }
0x8c: {  	s26 =	sadd.s32 $0xAE80, s24;
	s28 =	sadd.s32 $0x230, s25  }
0x8d: {  	[tilespmem:s26], [sflag:$0x1] =	stream.indirect.gather [hbm4b:s5+s9], $0x20, s28, s9, $0xb8;
	[tilespmem:$0x13800] =	vst v63  }
0x8e: {  	s26 =	sadd.s32 $0xB4C0, s24;
	s28 =	sadd.s32 $0x268, s25  }
0x8f: {  	[tilespmem:s26], [sflag:$0x1] =	stream.indirect.gather [hbm4b:s5+s9], $0x20, s28, s9, $0xb8;
	[tilespmem:$0x13800] =	vst v63  }
0x90: {  	s26 =	sadd.s32 $0xBB00, s24;
	s28 =	sadd.s32 $0x2A0, s25  }
0x91: {  	[tilespmem:s26], [sflag:$0x1] =	stream.indirect.gather [hbm4b:s5+s9], $0x20, s28, s9, $0xb8;
	[tilespmem:$0x13800] =	vst v63  }
0x92: {  	s26 =	sadd.s32 $0xC140, s24;
	s28 =	sadd.s32 $0x2D8, s25  }
0x93: {  	[tilespmem:s26], [sflag:$0x1] =	stream.indirect.gather [hbm4b:s5+s9], $0x20, s28, s9, $0xb8;
	[tilespmem:$0x13800] =	vst v63  }
.Ltmp5:
0x94: {  	_ = 	snop;
	(pc) =	sbr.rel .LBB2_4-.Ltmp5, $4  }
0x95: {  	s26 =	sadd.s32 $0xC780, s24;
	s28 =	sadd.s32 $0x310, s25  }
0x96: {  	[tilespmem:s26], [sflag:$0x1] =	stream.indirect.gather [hbm4b:s5+s9], $0x20, s28, s9, $0xb8;
	[tilespmem:$0x13800] =	vst v63  }
0x97: {  	s24 =	sadd.s32 $0xCDC0, s24;
	s25 =	sadd.s32 $0x348, s25  }
0x98: {  	[tilespmem:s24], [sflag:$0x1] =	stream.indirect.gather [hbm4b:s5+s9], $0x20, s25, s9, $0xb8;
	[tilespmem:$0x13800] =	vst v63  }
.LBB2_6:
0x99: {  	_ =	sfence.sel $0x180000  }
0x9a: {  	[bflag:$0x0] =	sbarrier.arrive $0xFFFF  }
0x9b: {  	_ =	strace $0x90000047  }
0x9c: {  	s0 =	stileid.u32;
	[bflag:$0x2] =	sbarrier.arrive $0xFFFF  }
0x9d: {  	p0 =	sne.s32 s0, $0x0;
	s0 =	rddreg [dreg:$0x2]  }
0x9e: {  	s0 =	sadd.s32 @!p0 $0x100000, s0  }
0x9f: {  	[sflag:s0] =	ssyncadd.tile.s32 @!p0 $0x1;
	_ =	shalt  }
.Lfunc_end2:
_tile_overlayer_lowered:
.L_overlay_start_2:
0xa0: {  	(tag) =	ssettag $0x2  }
0xa1: {  	s0 =	rddreg [dreg:$0x0];
	s2 =	stileid.u32  }
0xa2: {  	s1 =	rddreg [dreg:$0x1];
	p0 =	sne.s32 s2, $0x0  }
0xa3: {  	s3 =	rddreg [dreg:$0x2];
	[bflag:$0x3] =	sbarrier.arrive $0xFFFF;
	s2 =	simm.s32 @!p0 $0x1C03  }
0xa4: {  	[timem:s3], [sflag:s2] =	dma.local @!p0 [hbm:s0], s1  }
0xa5: {  	s0 =	simm.s32 @!p0 $0x3  }
0xa6: {  	_ =	swait.ge @!p0 [sflag:s0], s1  }
0xa7: {  	s1 =	ssub.s32 @!p0 $0x0, s1;
	[sflag:s0] =	ssyncset.done @!p0 $0x0  }
0xa8: {  	[sflag:s0] =	ssyncadd.s32 @!p0 s1  }
0xa9: {  	[bflag:$0x3] =	sbarrier.arrive $0xFFFF  }
0xaa: {  	_ =	shalt  }

// kernel: sparse-core-data-format-call.cloned.1.call-start
scs
called_computation_lowered:
.L_overlay_start_0:
0x0: {  	s2 =	sld [smem:$0x3FD9]  }
0x1: {  	s3 =	sld [smem:$0x3FFE];
	_ =	sdelay $0x1  }
0x2: {  	s1 =	srdreg.scid  }
0x3: {  	s0 =	sand.u32 $0x1, s1  }
0x4: {  	s18 =	sshll.u32 s0, $0xA;
	s2 =	sadd.s32 s3, s2  }
0x5: {  	s2 =	sadd.s32 s2, s18  }
0x6: {  	[smem:$0x3FC6] =	sst s2  }
0x7: {  	_ = 	snop  }
0x8: {  	s2 =	sld [smem:$0x3FD0];
	(tm) =	ssettm $0x1  }
0x9: {  	s19 =	sld [smem:$0x3FFB];
	_ =	sdelay $0x3  }
0xa: {  	_ =	strace s19  }
0xb: {  	s3 =	sld [smem:$0x3FFC];
	_ =	sdelay $0x3  }
0xc: {  	_ =	strace s3  }
0xd: {  	s3 =	sld [smem:$0x3FFD];
	_ =	sdelay $0x3  }
0xe: {  	_ =	strace s3  }
0xf: {  	_ =	strace $0x8FFFFFFF  }
0x10: {  	s20 =	sld [smem:$0x3FDB];
	_ =	sdelay $0x1  }
0x11: {  	s4 =	simm.s32 $_scs_section_size  }
0x12: {  	s5 =	simm.s32 $_size__tile_overlayer_lowered;
	s6 =	simm.s32 $_tile_overlayer_lowered  }
0x13: {  	s23 =	simm.s32 $0x1BFF;
	s22 =	sshll.u32 s6, $0x1;
	s3 =	sadd.s32 s4, s20  }
0x14: {  	s7 =	simm.s32 $0x0;
	s21 =	sshll.u32 s5, $0x1;
	s5 =	sadd.s32 s22, s3  }
0x15: {  	[timem:s7], [sflag:s23] =	dma.local [hbm:s5], s21  }
0x16: {  	_ =	swait.ge [sflag:s23], s21  }
0x17: {  	s4 =	ssub.s32 $0x0, s21;
	[sflag:s23] =	ssyncset.done $0x0  }
0x18: {  	[sflag:s23] =	ssyncadd.s32 s4;
	_ =	sdelay $0x1  }
0x19: {  	s24 =	simm.s32 $0x1B8B  }
0x1a: {  	_ =	swait.ge [sflag:s24], $0x1  }
0x1b: {  	[sflag:s24] =	ssyncset.done $0x0  }
0x1c: {  	s26 =	simm.s32 $0x1B8E;
	s25 =	sld [smem:$0x3FFE];
	[sflag:s24] =	ssyncadd.s32 $0xFFFFFFFF  }
0x1d: {  	s27 =	simm.s32 $execute0_lowered;
	[smem:$0x3FD2] =	sst s26  }
0x1e: {  	s5 =	sshll.u32 s27, $0x1;
	_ =	strace $0x80000049;
	[dreg:$0x1] =	wrdreg $0xFFFFFFFF  }
0x1f: {  	s28 =	simm.s32 $_size_execute0_lowered;
	s3 =	sadd.s32 s3, s5;
	[dreg:$0x0] =	wrdreg $0x0  }
0x20: {  	s5 =	sshll.u32 s28, $0x1;
	[dreg:$0x2] =	wrdreg s3  }
0x21: {  	[dreg:$0x3] =	wrdreg s5  }
0x22: {  	[dreg:$0x4] =	wrdreg $0xC0  }
0x23: {  	_ =	task [dreg:s7], $0x5FFFF  }
0x24: {  	[dreg:$0x1] =	wrdreg $0xFFFFFFFF  }
0x25: {  	[dreg:$0x0] =	wrdreg $0x60  }
0x26: {  	[dreg:$0x2] =	wrdreg s25  }
0x27: {  	[dreg:$0x3] =	wrdreg s2  }
0x28: {  	[dreg:$0x4] =	wrdreg $0x9  }
0x29: {  	_ =	task.clear_ibuf [dreg:s7], $0x5FFFF;
	_ =	strace $0x90000049  }
0x2a: {  	s29 =	simm.s32 $0x9;
	_ =	strace $0x8000004B  }
0x2b: {  	_ =	swait.ge [sflag:s29], $0x1  }
0x2c: {  	[sflag:s29] =	ssyncadd.s32 $0xFFFFFFFF  }
0x2d: {  	_ =	strace $0x9000004B  }
0x2e: {  	_ =	sfence  }
0x2f: {  	s30 =	sld [smem:$0x0];
	_ =	sdelay $0x2  }
0x30: {  	s31 =	sshll.u32 s1, $0xD;
	s1 =	sshrl.u32 s1, $0x2  }
0x31: {  	s3 =	sand.u32 $0x4000, s31;
	s1 =	sadd.s32 s1, s30  }
0x32: {  	s0 =	sor.u32 s3, s0;
	s1 =	sshll.u32 s1, $0x11  }
0x33: {  	s0 =	sor.u32 s1, s0  }
0x34: {  	s0 =	sadd.s32 $0x8F2B, s0  }
0x35: {  	[sflag:s0] =	ssyncadd.remote.s32 $0x1  }
0x36: {  	_ =	sfence.sel $0xFFFF  }
0x37: {  	[dreg:$0x0] =	wrdreg $0xFFFFFFFF;
	(pc) =	sbr.abs _section_cstart, $3  }
0x38: {  	[dreg:$0x1] =	wrdreg $0xFFFFFFFF  }
0x39: {  	_ =	task.clear_ibuf [dreg:s7], $0x2FFFF;
	_ =	strace $0x9FFFFFFF  }
0x3a: {  	(tm) =	ssettm $0x7FFFFFFF  }
0x3b: {  	_ =	shalt  }
tec
execute0_lowered:
.L_overlay_start_1:
0x0: {  	(tag) =	ssettag $0x1  }
0x1: {  	s0 =	srdreg.scid  }
0x2: {  	s1 =	sshll.u32 s0, $0x4  }
0x3: {  	s0 =	stileid.u32;
	s1 =	sand.u32 $0x10, s1  }
0x4: {  	s1 =	sor.u32 s0, s1  }
0x5: {  	s6 =	rddreg [dreg:$0x0];
	s4 =	simm.s32 $0x1;
	s2 =	sshll.u32 s1, $0x7  }
0x6: {  	s7 =	simm.s32 $0x2;
	s12 =	simm.s32 $0x0;
	s1 =	ssub.s32 $0x4000, s2  }
0x7: {  	s8 =	simm.s32 $0x20000;
	s13 =	simm.s32 $0x0;
	s3 =	sand.u32 $0xF80, s1  }
0x8: {  	s9 =	simm.s32 $0x0;
	s5 =	sshrl.u32 s1, $0xC;
	p0 =	sne.s32 s3, $0x0  }
.Ltmp0:
0x9: {  	s1 =	rddreg [dreg:$0x2];
	s4 =	simm.s32 @!p0 $0x0;
	(pc) =	sbr.rel .LBB1_1-.Ltmp0, $4  }
0xa: {  	s11 =	simm.s32 $0x0;
	s3 =	rddreg [dreg:$0x1];
	s5 =	sadd.s32 s4, s5  }
0xb: {  	_ =	strace $0x8000004A;
	s4 =	simm.s32 $0x1;
	s5 =	smul.u32 $0x32, s5  }
0xc: {  	s6 =	sadd.s32 $0xA00, s6;
	s10 =	smov.u32 s2;
	[sflag:s4] =	ssyncpa.u1 $0x0  }
0xd: {  	p0 =	por $0x0, $0x0;
	[sflag:s7] =	ssyncpa.u1 $0x0;
	s7 =	sor.u32 $0x1, s5  }
.LBB1_4:
0xe: {  	s16 =	sshll.u32 s13, $0x3;
	s17 =	sand.u32 $0x78, s13  }
0xf: {  	s30 =	sand.u32 $0xF800, s13;
	s12 =	sshll.u32 s12, $0x10;
	s16 =	sand.u32 $0x3C00, s16  }
0x10: {  	s31 =	sand.u32 $0x7, s13;
	s16 =	sor.u32 s17, s16;
	s17 =	sadd.s32 s3, s30  }
0x11: {  	s13 =	sshll.u32 s31, $0x12;
	s16 =	sshrl.u32 s16, $0x3;
	s12 =	sadd.s32 s12, s17  }
0x12: {  	[tilespmem:s15+$0x0 ss:$0x81] =	vst.msk $0xffff, v0;
	s13 =	sor.u32 $0x400, s13;
	s12 =	sadd.s32 s16, s12  }
0x13: {  	[hbm4b:s12+s13] =	stream.strided.scatter [tilespmem:s14], [sflag:$0x2], $0x1000, s8, s13, $0x20;
	[tilespmem:$0x4040] =	vst v63  }
.LBB1_5:
0x14: {  	s14 =	sadd.s32 $0x1, s9  }
0x15: {  	s12 =	sadd.s32 $0x1000, s10;
	s16 =	smov.u32 s10;
	p2 =	sgt.s32 s14, $0x31  }
0x16: {  	s16 =	smov.u32 @p2 s12  }
0x17: {  	s14 =	simm.s32 @p2 $0x0;
	p2 =	sgt.s32 s16, $0x3FFF  }
0x18: {  	s16 =	smov.u32 @p2 s2;
	p2 =	sne.s32 s11, s7  }
.Ltmp1:
0x19: {  	p1 =	slt.u32 s11, $0x2;
	(pc) =	sbr.rel @!p2 .LBB1_6-.Ltmp1, $4  }
0x1a: {  	s15 =	simm.s32 @!p1 $0x2  }
0x1b: {  	s13 =	smov.u32 s10;
	p0 =	por !p0, !p0;
	_ =	swait.ge @!p1 [sflag:s15], $0x1000  }
0x1c: {  	s12 =	smov.u32 s9;
	[sflag:s15] =	ssyncset.done @!p1 $0x0;
	s9 =	smov.u32 s14  }
0x1d: {  	s11 =	sadd.s32 $0x1, s11;
	[sflag:s15] =	ssyncadd.s32 @!p1 $0xFFFFF000;
	s10 =	smov.u32 s16  }
.LBB1_1:
0x1e: {  	p1 =	sge.u32 s11, s5  }
0x1f: {  	s14 =	sand.u32 @!p1 $0x1FFFFFF, s9  }
0x20: {  	s15 =	smulhi.u32 @!p1 $0x4924925, s14;
	_ =	sdelay $0x1  }
0x21: {  	s15 =	smul.u32 @!p1 $0x38, s15  }
0x22: {  	s16 =	sxor.u32 @!p1 $0xFFFFFFFF, s11;
	s17 =	smul.u32 @!p1 $0x380, s10  }
0x23: {  	s31 =	sadd.s32 $0xFFFFFFFF, s11;
	s16 =	sshll.u32 @!p1 s16, $0xC;
	s14 =	ssub.s32 @!p1 s14, s15  }
0x24: {  	s15 =	sand.u32 @!p1 $0x1000, s16;
	s16 =	sadd.s32 @!p1 s6, s17;
	s14 =	sshll.u32 @!p1 s14, $0x4  }
0x25: {  	s17 =	simm.s32 @!p1 $0x1C00;
	s14 =	sadd.s32 @!p1 s14, s16;
	s16 =	simm.s32 @!p1 $0x20  }
0x26: {  	[tilespmem:s15], [sflag:$0x1] =	stream.strided.gather @!p1 [hbm4b:s14+s16], $0x1000, s17, s16, $0x38;
	[tilespmem:$0x4040] =	vst v63  }
0x27: {  	p1 =	sge.u32 s31, s5  }
.Ltmp2:
0x28: {  	_ = 	snop;
	(pc) =	sbr.rel @p1 .LBB1_5-.Ltmp2, $1  }
0x29: {  	_ =	sdelay $0x3  }
0x2a: {  	s14 =	simm.s32 $0x1  }
0x2b: {  	_ =	swait.ge [sflag:s4], $0x1000;
	s14 =	simm.s32 @!p0 $0x0  }
0x2c: {  	[sflag:s4] =	ssyncset.done $0x0;
	s15 =	sshll.u32 s14, $0xC  }
0x2d: {  	[sflag:s4] =	ssyncadd.s32 $0xFFFFF000;
	s18 =	sor.u32 $0x10, s15  }
0x2e: {  	s14 =	smul.u32 $0x4080, s14;
	v1 =	vld [tilespmem:s18+$0x0]  }
0x2f: {  	s30 =	sand.u32 $0x1, s11;
	v0 =	vld [tilespmem:s18+$0xFFFFFFF0]  }
0x30: {  	s15 =	smul.u32 $0x4080, s30;
	s14 =	sshrl.u32 s14, $0x2  }
0x31: {  	s16 =	sor.u32 $0x2000, s14  }
0x32: {  	s31 =	sshrl.u32 s15, $0x2;
	s15 =	sadd.s32 $0x0, s16  }
0x33: {  	s17 =	simm.s32 $0x4;
	s18 =	sadd.s32 $0x20, s18;
	s14 =	sor.u32 $0x2000, s31;
	[tilespmem:s15+$0x810 ss:$0x81] =	vst.msk $0xffff, v1  }
.LBB1_3:
0x34: {  	v1 =	vld [tilespmem:s18+$0x0];
	p1 =	sne.s32 s17, $0x1FC;
	[tilespmem:s15+$0x0 ss:$0x81] =	vst.msk $0xffff, v0;
	s15 =	smov.u32 s17;
	s17 =	sadd.s32 $0x4, s17  }
.Ltmp3:
0x35: {  	v0 =	vld [tilespmem:s18+$0xFFFFFFF0];
	(pc) =	sbr.rel @p1 .LBB1_3-.Ltmp3, $4  }
0x36: {  	_ = 	snop  }
0x37: {  	s15 =	sshra.s32 s15, $0x2  }
0x38: {  	s15 =	sadd.s32 s15, s16  }
0x39: {  	s18 =	sadd.s32 $0x20, s18;
	[tilespmem:s15+$0x810 ss:$0x81] =	vst.msk $0xffff, v1  }
.Ltmp4:
0x3a: {  	_ = 	snop;
	(pc) =	sbr.rel .LBB1_4-.Ltmp4, $1  }
0x3b: {  	_ =	sdelay $0x3  }
.LBB1_6:
0x3c: {  	_ =	sfence.sel $0x180000  }
0x3d: {  	s2 =	simm.s32 $0x1;
	[bflag:$0x0] =	sbarrier.arrive $0xFFFF  }
0x3e: {  	s31 =	simm.s32 $0x2;
	[sflag:s2] =	ssyncpa.u1 $0x1  }
0x3f: {  	[sflag:s31] =	ssyncpa.u1 $0x1  }
0x40: {  	p0 =	sne.s32 s0, $0x0;
	_ =	strace $0x9000004A  }
0x41: {  	s0 =	sadd.s32 @!p0 $0x100000, s1;
	[bflag:$0x2] =	sbarrier.arrive $0xFFFF  }
0x42: {  	[sflag:s0] =	ssyncadd.tile.s32 @!p0 $0x1;
	_ =	shalt  }
.Lfunc_end1:
_tile_overlayer_lowered:
.L_overlay_start_2:
0x43: {  	(tag) =	ssettag $0x2  }
0x44: {  	s0 =	rddreg [dreg:$0x0];
	s2 =	stileid.u32  }
0x45: {  	s1 =	rddreg [dreg:$0x1];
	p0 =	sne.s32 s2, $0x0  }
0x46: {  	s3 =	rddreg [dreg:$0x2];
	[bflag:$0x3] =	sbarrier.arrive $0xFFFF;
	s2 =	simm.s32 @!p0 $0x1C01  }
0x47: {  	[timem:s3], [sflag:s2] =	dma.local @!p0 [hbm:s0], s1  }
0x48: {  	s0 =	simm.s32 @!p0 $0x1  }
0x49: {  	_ =	swait.ge @!p0 [sflag:s0], s1  }
0x4a: {  	s1 =	ssub.s32 @!p0 $0x0, s1;
	[sflag:s0] =	ssyncset.done @!p0 $0x0  }
0x4b: {  	[sflag:s0] =	ssyncadd.s32 @!p0 s1  }
0x4c: {  	[bflag:$0x3] =	sbarrier.arrive $0xFFFF  }
0x4d: {  	_ =	shalt  }

</sc_bundles>
